<compile_context>
chip_gen: v7x
topology: tpu7x:2x2x1
jax: 0.10.2.dev20260603
libtpu: 0.0.44.dev20260713+nightly
codegen_flags: <defaults>
</compile_context>

<pallas_src>
import functools

import jax
import jax.numpy as jnp
from jax import lax
from jax.experimental import pallas as pl
from jax.experimental.pallas import tpu as pltpu
from jax.experimental.pallas import tpu_sc as plsc

L = 16
EPS = 1e-5


_GDN = lax.GatherDimensionNumbers(
    offset_dims=(), collapsed_slice_dims=(0,), start_index_map=(0,))


def _perm(v, idx):
    return lax.gather(v, idx[:, None], dimension_numbers=_GDN,
                      slice_sizes=(1,),
                      mode=lax.GatherScatterMode.PROMISE_IN_BOUNDS)


def _splat_lane(v, k):
    return _perm(v, jnp.full((L,), k, jnp.int32))


def _vsum(v):
    for s in (1, 2, 4, 8):
        v = v + _perm(v, jnp.arange(L, dtype=jnp.int32) ^ s)
    return v


def _rsqrt(x):
    i = lax.bitcast_convert_type(x, jnp.int32)
    y = lax.bitcast_convert_type(jnp.int32(0x5F3759DF) - (i >> 1), jnp.float32)
    for _ in range(3):
        y = y * (1.5 - 0.5 * x * y * y)
    return y


def _sc_info():
    try:
        info = plsc.get_sparse_core_info()
        return info.num_cores, info.num_subcores
    except RuntimeError:
        return 2, 16


def _make_sc_kernel(V, B, NOCR, S, H, n_pad, rpw, W):
    NC, NS = _sc_info()
    HC = H // L
    general_type = S > V
    mesh = plsc.VectorSubcoreMesh(core_axis_name="c", subcore_axis_name="s")

    @functools.partial(
        pl.kernel,
        mesh=mesh,
        compiler_params=pltpu.CompilerParams(needs_layout_passes=False),
        out_type=jax.ShapeDtypeStruct((n_pad, H), jnp.float32),
        scratch_types=[
            pltpu.VMEM((W,), jnp.int32),
            pltpu.VMEM((W,), jnp.int32),
            pltpu.VMEM((W,), jnp.int32),
            pltpu.VMEM((W,), jnp.int32),
            pltpu.VMEM((W,), jnp.float32),
            pltpu.VMEM((rpw, H), jnp.float32),
            pltpu.VMEM((rpw, H), jnp.float32),
            pltpu.VMEM((rpw, H), jnp.float32),
            pltpu.VMEM((8, H), jnp.float32),
            pltpu.VMEM((rpw, H), jnp.float32),
            pltpu.VMEM((rpw,), jnp.int32),
            pltpu.SemaphoreType.DMA,
            pltpu.SemaphoreType.DMA,
            pltpu.SemaphoreType.DMA,
            pltpu.SemaphoreType.DMA,
        ],
    )
    def sc_kernel(cv_hbm, ocr_hbm, ids_hbm, pos_hbm, params_hbm,
                  out_hbm, idx_win, cidx, oidx, pidx, rflag,
                  crow, orow, prow, params_v, outbuf, widx,
                  sem0, sem1, sem2, sem3):
        wid = lax.axis_index("s") * NC + lax.axis_index("c")
        base = wid * rpw
        abase = pl.multiple_of(jnp.minimum(base - lax.rem(base, 8), n_pad - W), 8)
        pltpu.sync_copy(ids_hbm.at[pl.ds(abase, W)], idx_win)

        for j in range(W // L):
            v = idx_win[pl.ds(j * L, L)]
            p = abase + j * L + lax.iota(jnp.int32, L)
            r = p - base
            msk = (r >= 0) & (r < rpw)
            is_ocr = v >= V
            plsc.store_scatter(cidx, [r], jnp.where(is_ocr, lax.rem(p, V), v),
                               mask=msk)

        d0 = pltpu.async_copy(cv_hbm.at[cidx.at[pl.ds(0, rpw)]], crow, sem0)

        for j in range(W // L):
            v = idx_win[pl.ds(j * L, L)]
            p = abase + j * L + lax.iota(jnp.int32, L)
            r = p - base
            msk = (r >= 0) & (r < rpw)
            b = lax.div(p, S)
            is_ocr = v >= V
            plsc.store_scatter(oidx, [r],
                               jnp.where(is_ocr, b * NOCR + (v - V),
                                         lax.rem(p, B * NOCR)), mask=msk)
            plsc.store_scatter(pidx, [r], lax.rem(p, S), mask=msk)
            plsc.store_scatter(rflag, [r], jnp.where(is_ocr, 1.0, 0.0),
                               mask=msk)
            plsc.store_scatter(widx, [r], p, mask=msk)

        d1 = pltpu.async_copy(ocr_hbm.at[oidx.at[pl.ds(0, rpw)]], orow, sem1)
        d2 = pltpu.async_copy(pos_hbm.at[pidx.at[pl.ds(0, rpw)]], prow, sem2)
        pltpu.sync_copy(params_hbm, params_v)
        d0.wait(); d1.wait(); d2.wait()

        tt0 = [params_v[6, pl.ds(j * L, L)] for j in range(HC)]
        tt1 = ([params_v[7, pl.ds(j * L, L)] for j in range(HC)]
               if general_type else None)

        @plsc.parallel_loop(0, rpw, 1, unroll=5)
        def row(i):
            fv = rflag[pl.ds((i // L) * L, L)]
            t = _splat_lane(fv, i % L)
            if general_type:
                sv = pidx[pl.ds((i // L) * L, L)]
                t2 = jnp.where(_splat_lane(sv, i % L) >= V, 1.0, 0.0)
            xs, ps = [], []
            acc1 = jnp.zeros((L,), jnp.float32)
            acc2 = jnp.zeros((L,), jnp.float32)
            pacc1 = jnp.zeros((L,), jnp.float32)
            pacc2 = jnp.zeros((L,), jnp.float32)
            for j in range(HC):
                c = crow[i, pl.ds(j * L, L)]
                o = orow[i, pl.ds(j * L, L)]
                x = c + t * (o - c)
                xs.append(x)
                acc1 += x
                acc2 += x * x
                ttj = (tt0[j] if not general_type
                       else tt0[j] + t2 * (tt1[j] - tt0[j]))
                pt = prow[i, pl.ds(j * L, L)] + ttj
                ps.append(pt)
                pacc1 += pt
                pacc2 += pt * pt
            mv = _vsum(acc1) * (1.0 / H)
            invv = _rsqrt(_vsum(acc2) * (1.0 / H) - mv * mv + EPS)
            pmv = _vsum(pacc1) * (1.0 / H)
            pinvv = _rsqrt(_vsum(pacc2) * (1.0 / H) - pmv * pmv + EPS)
            for j in range(HC):
                w = (params_v[0, pl.ds(j * L, L)]
                     + t * params_v[2, pl.ds(j * L, L)])
                bb = (params_v[1, pl.ds(j * L, L)]
                      + t * params_v[3, pl.ds(j * L, L)])
                y = (xs[j] - mv) * invv * w + bb
                y2 = ((ps[j] - pmv) * pinvv * params_v[4, pl.ds(j * L, L)]
                      + params_v[5, pl.ds(j * L, L)])
                outbuf[i, pl.ds(j * L, L)] = y + y2

        pltpu.async_copy(outbuf, out_hbm.at[widx], sem3).wait()

    return sc_kernel


def kernel(common_voc_embed, ocr_embed, prev_ids, pos_table, type_table,
           cv_ln_w, cv_ln_b, ocr_ln_w, ocr_ln_b, emb_ln_w, emb_ln_b):
    V, H = common_voc_embed.shape
    B, NOCR, _ = ocr_embed.shape
    _, S = prev_ids.shape
    NC, NS = _sc_info()
    NW = NC * NS
    n = B * S
    rpw = -(-n // NW)
    W = -(-(rpw + 7) // L) * L
    n_pad = NW * rpw

    ids = prev_ids.reshape(n)
    if n_pad != n:
        ids = jnp.concatenate([ids, jnp.zeros((n_pad - n,), jnp.int32)])
    ocr_flat = ocr_embed.reshape(B * NOCR, H)
    params = jnp.concatenate([
        jnp.stack([cv_ln_w, cv_ln_b, ocr_ln_w - cv_ln_w,
                   ocr_ln_b - cv_ln_b, emb_ln_w, emb_ln_b]), type_table])

    sc = _make_sc_kernel(V, B, NOCR, S, H, n_pad, rpw, W)
    out = sc(common_voc_embed, ocr_flat, ids, pos_table, params)
    if n_pad != n:
        out = out[:n]
    return out.reshape(B, S, H)

# --- scband reference (transcript-rebuilt; emitter-appended) ---
"""Pipeline reference for scband-prev-embedding-10866267259469 (READ-ONLY COPY).

The authoritative reference and input builder live on the scoring server;
editing this copy changes nothing except your own understanding.
"""

import jax, jax.numpy as jnp
import numpy as np


def _ln(x, w, b, eps=1e-5):
    m = jnp.mean(x, axis=-1, keepdims=True)
    v = jnp.var(x, axis=-1, keepdims=True)
    return (x - m) / jnp.sqrt(v + eps) * w + b


def setup_inputs(seed: int = 0):
    key = jax.random.key(seed)
    ks = jax.random.split(key, 6)
    H = 128; V = 100000; B = 4; NOCR = 50; S = 200; DEC = 512
    common_voc_embed = jax.random.normal(ks[0], (V, H), dtype=jnp.float32)
    ocr_embed = jax.random.normal(ks[1], (B, NOCR, H), dtype=jnp.float32)
    prev_ids = jax.random.randint(ks[2], (B, S), 0, V + NOCR, dtype=jnp.int32)
    pos_table = jax.random.normal(ks[3], (DEC, H), dtype=jnp.float32) * 0.02
    type_table = jax.random.normal(ks[4], (2, H), dtype=jnp.float32) * 0.02
    return {
        'common_voc_embed': common_voc_embed,
        'ocr_embed': ocr_embed,
        'prev_ids': prev_ids,
        'pos_table': pos_table,
        'type_table': type_table,
        'cv_ln_w': jnp.ones((H,), jnp.float32),
        'cv_ln_b': jnp.zeros((H,), jnp.float32),
        'ocr_ln_w': jnp.ones((H,), jnp.float32),
        'ocr_ln_b': jnp.zeros((H,), jnp.float32),
        'emb_ln_w': jnp.ones((H,), jnp.float32),
        'emb_ln_b': jnp.zeros((H,), jnp.float32),
    }


def reference(common_voc_embed, ocr_embed, prev_ids, pos_table, type_table,
              cv_ln_w, cv_ln_b, ocr_ln_w, ocr_ln_b, emb_ln_w, emb_ln_b):
    B, S = prev_ids.shape
    V, H = common_voc_embed.shape
    cv = _ln(common_voc_embed, cv_ln_w, cv_ln_b)
    oc = _ln(ocr_embed, ocr_ln_w, ocr_ln_b)
    # expand common vocab per batch and concat ocr vocab (idx of ocr starts at V)
    table = jnp.concatenate([jnp.broadcast_to(cv[None], (B, V, H)), oc], axis=1)
    # _batch_gather: per-batch row gather
    last_word_embeds = jnp.take_along_axis(table, prev_ids[:, :, None], axis=1)
    pos_ids = jnp.broadcast_to(jnp.arange(S, dtype=jnp.int32)[None, :], (B, S))
    position_embeds = jnp.take(pos_table, pos_ids, axis=0)
    type_ids = (pos_ids >= V).astype(jnp.int32)
    token_type_embeds = jnp.take(type_table, type_ids, axis=0)
    pos_type_embeds = _ln(position_embeds + token_type_embeds, emb_ln_w, emb_ln_b)
    # dropout is identity in eval/reference mode
    prev_emb = last_word_embeds + pos_type_embeds
    return prev_emb

if __name__ == "__main__":
    import jax
    _d = setup_inputs()
    print(jax.jit(kernel)(*tuple(_d.values())))

</pallas_src>

<mosaic_0001>
#map = affine_map<(d0, d1) -> (0, 0)>
#map1 = affine_map<(d0, d1) -> (0)>
module attributes {stable_mosaic.version = 14 : i64} {
  func.func @sc_kernel(%arg0: i32, %arg1: i32, %arg2: memref<100000x128xf32, #tpu.memory_space<hbm>>, %arg3: memref<200x128xf32, #tpu.memory_space<hbm>>, %arg4: memref<800xi32, #tpu.memory_space<hbm>>, %arg5: memref<512x128xf32, #tpu.memory_space<hbm>>, %arg6: memref<8x128xf32, #tpu.memory_space<hbm>>, %arg7: memref<800x128xf32, #tpu.memory_space<hbm>>, %arg8: memref<32xi32, #tpu.memory_space<vmem>>, %arg9: memref<32xi32, #tpu.memory_space<vmem>>, %arg10: memref<32xi32, #tpu.memory_space<vmem>>, %arg11: memref<32xi32, #tpu.memory_space<vmem>>, %arg12: memref<32xf32, #tpu.memory_space<vmem>>, %arg13: memref<25x128xf32, #tpu.memory_space<vmem>>, %arg14: memref<25x128xf32, #tpu.memory_space<vmem>>, %arg15: memref<25x128xf32, #tpu.memory_space<vmem>>, %arg16: memref<8x128xf32, #tpu.memory_space<vmem>>, %arg17: memref<25x128xf32, #tpu.memory_space<vmem>>, %arg18: memref<25xi32, #tpu.memory_space<vmem>>, %arg19: memref<!tpu.dma_semaphore, #tpu.memory_space<semaphore_mem>>, %arg20: memref<!tpu.dma_semaphore, #tpu.memory_space<semaphore_mem>>, %arg21: memref<!tpu.dma_semaphore, #tpu.memory_space<semaphore_mem>>, %arg22: memref<!tpu.dma_semaphore, #tpu.memory_space<semaphore_mem>>) attributes {dimension_semantics = [#tpu.dimension_semantics<core_parallel>, #tpu.dimension_semantics<subcore_parallel>], iteration_bounds = array<i64: 2, 16>, scalar_prefetch = 0 : i64, scratch_operands = 15 : i64, tpu.core_type = #tpu.core_type<sc_vector_subcore>, window_params = [{transform_indices = #map}, {transform_indices = #map}, {transform_indices = #map1}, {transform_indices = #map}, {transform_indices = #map}, {transform_indices = #map}]} {
    %mul3A = arith.constant 2 : i32
    %mul3A_0 = arith.muli %arg1, %mul3A : i32
    %add3A = arith.addi %mul3A_0, %arg0 : i32
    %mul3A_1 = arith.constant 25 : i32
    %mul3A_2 = arith.muli %add3A, %mul3A_1 : i32
    %rem3A = arith.constant 8 : i32
    %rem3A_3 = arith.remsi %mul3A_2, %rem3A : i32
    %sub3A = arith.subi %mul3A_2, %rem3A_3 : i32
    %min3A = arith.constant 768 : i32
    %min3A_4 = arith.minsi %sub3A, %min3A : i32
    %multiple_of3A = tpu.assume_multiple %min3A_4, 8 : i32
    "tpu.region"() ({
      %run_scoped3A = tpu.sem_alloc : memref<!tpu.dma_semaphore, #tpu.memory_space<semaphore_mem>>
      %dma_start3A_192 = tpu.memref_slice %arg4[%multiple_of3A] : memref<800xi32, #tpu.memory_space<hbm>> -> memref<32xi32, #tpu.memory_space<hbm>>
      %dma_start3A_193 = tpu.memref_slice %arg4[%multiple_of3A] : memref<800xi32, #tpu.memory_space<hbm>> -> memref<32xi32, #tpu.memory_space<hbm>>
      tpu.enqueue_dma source(%dma_start3A_193 : memref<32xi32, #tpu.memory_space<hbm>>) target(%arg8 : memref<32xi32, #tpu.memory_space<vmem>>) target_semaphore(%run_scoped3A : memref<!tpu.dma_semaphore, #tpu.memory_space<semaphore_mem>>)
      %dma_wait3A_194 = tpu.memref_slice %arg4[%multiple_of3A] : memref<800xi32, #tpu.memory_space<hbm>> -> memref<32xi32, #tpu.memory_space<hbm>>
      %dma_wait3A_195 = tpu.memref_slice %arg4[%multiple_of3A] : memref<800xi32, #tpu.memory_space<hbm>> -> memref<32xi32, #tpu.memory_space<hbm>>
      tpu.wait_dma2 semaphore(%run_scoped3A : memref<!tpu.dma_semaphore, #tpu.memory_space<semaphore_mem>>) src(%dma_wait3A_195 : memref<32xi32, #tpu.memory_space<hbm>>) dst(%arg8 : memref<32xi32, #tpu.memory_space<vmem>>)
      tpu.yield
    }) : () -> ()
    %get3A = arith.constant 0 : index
    %get3A_5 = tpu.vector_load %arg8[%get3A] {strides = array<i32>} : memref<32xi32, #tpu.memory_space<vmem>>, vector<16xi32>,
    %add3A_6 = arith.constant 0 : i32
    %add3A_7 = arith.addi %multiple_of3A, %add3A_6 : i32
    %iota3A = tpu.iota {dimensions = array<i32: 0>} : vector<16xi32>
    %add3A_8 = vector.broadcast %add3A_7 : i32 to vector<16xi32>
    %add3A_9 = arith.addi %add3A_8, %iota3A : vector<16xi32>
    %sub3A_10 = vector.broadcast %mul3A_2 : i32 to vector<16xi32>
    %sub3A_11 = arith.subi %add3A_9, %sub3A_10 : vector<16xi32>
    %ge3A = arith.constant 0 : i32
    %ge3A_12 = vector.broadcast %ge3A : i32 to vector<16xi32>
    %ge3A_13 = arith.cmpi sge, %sub3A_11, %ge3A_12 : vector<16xi32>
    %lt3A = arith.constant 25 : i32
    %lt3A_14 = vector.broadcast %lt3A : i32 to vector<16xi32>
    %lt3A_15 = arith.cmpi slt, %sub3A_11, %lt3A_14 : vector<16xi32>
    %and3A = arith.andi %ge3A_13, %lt3A_15 : vector<16xi1>
    %ge3A_16 = arith.constant 100000 : i32
    %ge3A_17 = vector.broadcast %ge3A_16 : i32 to vector<16xi32>
    %ge3A_18 = arith.cmpi sge, %get3A_5, %ge3A_17 : vector<16xi32>
    %rem3A_19 = arith.constant 100000 : i32
    %rem3A_20 = vector.broadcast %rem3A_19 : i32 to vector<16xi32>
    %rem3A_21 = arith.remsi %add3A_9, %rem3A_20 : vector<16xi32>
    %select_n3A = arith.select %ge3A_18, %rem3A_21, %get3A_5 : vector<16xi1>, vector<16xi32>
    tpu.vector_store_idx %arg9[%sub3A_11], %select_n3A masked %and3A : memref<32xi32, #tpu.memory_space<vmem>>[vector<16xi32>], vector<16xi32>, vector<16xi1>
    %get3A_22 = arith.constant 16 : index
    %get3A_23 = tpu.vector_load %arg8[%get3A_22] {strides = array<i32>} : memref<32xi32, #tpu.memory_space<vmem>>, vector<16xi32>,
    %add3A_24 = arith.constant 16 : i32
    %add3A_25 = arith.addi %multiple_of3A, %add3A_24 : i32
    %iota3A_26 = tpu.iota {dimensions = array<i32: 0>} : vector<16xi32>
    %add3A_27 = vector.broadcast %add3A_25 : i32 to vector<16xi32>
    %add3A_28 = arith.addi %add3A_27, %iota3A_26 : vector<16xi32>
    %sub3A_29 = vector.broadcast %mul3A_2 : i32 to vector<16xi32>
    %sub3A_30 = arith.subi %add3A_28, %sub3A_29 : vector<16xi32>
    %ge3A_31 = arith.constant 0 : i32
    %ge3A_32 = vector.broadcast %ge3A_31 : i32 to vector<16xi32>
    %ge3A_33 = arith.cmpi sge, %sub3A_30, %ge3A_32 : vector<16xi32>
    %lt3A_34 = arith.constant 25 : i32
    %lt3A_35 = vector.broadcast %lt3A_34 : i32 to vector<16xi32>
    %lt3A_36 = arith.cmpi slt, %sub3A_30, %lt3A_35 : vector<16xi32>
    %and3A_37 = arith.andi %ge3A_33, %lt3A_36 : vector<16xi1>
    %ge3A_38 = arith.constant 100000 : i32
    %ge3A_39 = vector.broadcast %ge3A_38 : i32 to vector<16xi32>
    %ge3A_40 = arith.cmpi sge, %get3A_23, %ge3A_39 : vector<16xi32>
    %rem3A_41 = arith.constant 100000 : i32
    %rem3A_42 = vector.broadcast %rem3A_41 : i32 to vector<16xi32>
    %rem3A_43 = arith.remsi %add3A_28, %rem3A_42 : vector<16xi32>
    %select_n3A_44 = arith.select %ge3A_40, %rem3A_43, %get3A_23 : vector<16xi1>, vector<16xi32>
    tpu.vector_store_idx %arg9[%sub3A_30], %select_n3A_44 masked %and3A_37 : memref<32xi32, #tpu.memory_space<vmem>>[vector<16xi32>], vector<16xi32>, vector<16xi1>
    %dma_start3A = arith.constant 0 : i32
    %dma_start3A_45 = tpu.memref_slice %arg9[%dma_start3A] : memref<32xi32, #tpu.memory_space<vmem>> -> memref<25xi32, #tpu.memory_space<vmem>>
    %dma_start3A_46 = arith.constant 0 : i32
    %dma_start3A_47 = arith.constant 0 : i32
    %dma_start3A_48 = tpu.memref_slice %arg2[%dma_start3A_46, %dma_start3A_47] : memref<100000x128xf32, #tpu.memory_space<hbm>> -> memref<100000x128xf32, #tpu.memory_space<hbm>>
    tpu.enqueue_indirect_dma source(%dma_start3A_48 : memref<100000x128xf32, #tpu.memory_space<hbm>>) target(%arg13 : memref<25x128xf32, #tpu.memory_space<vmem>>) offsets(%dma_start3A_45 : memref<25xi32, #tpu.memory_space<vmem>>) semaphore(%arg19 : memref<!tpu.dma_semaphore, #tpu.memory_space<semaphore_mem>>)
    %get3A_49 = arith.constant 0 : index
    %get3A_50 = tpu.vector_load %arg8[%get3A_49] {strides = array<i32>} : memref<32xi32, #tpu.memory_space<vmem>>, vector<16xi32>,
    %add3A_51 = arith.constant 0 : i32
    %add3A_52 = arith.addi %multiple_of3A, %add3A_51 : i32
    %iota3A_53 = tpu.iota {dimensions = array<i32: 0>} : vector<16xi32>
    %add3A_54 = vector.broadcast %add3A_52 : i32 to vector<16xi32>
    %add3A_55 = arith.addi %add3A_54, %iota3A_53 : vector<16xi32>
    %sub3A_56 = vector.broadcast %mul3A_2 : i32 to vector<16xi32>
    %sub3A_57 = arith.subi %add3A_55, %sub3A_56 : vector<16xi32>
    %ge3A_58 = arith.constant 0 : i32
    %ge3A_59 = vector.broadcast %ge3A_58 : i32 to vector<16xi32>
    %ge3A_60 = arith.cmpi sge, %sub3A_57, %ge3A_59 : vector<16xi32>
    %lt3A_61 = arith.constant 25 : i32
    %lt3A_62 = vector.broadcast %lt3A_61 : i32 to vector<16xi32>
    %lt3A_63 = arith.cmpi slt, %sub3A_57, %lt3A_62 : vector<16xi32>
    %and3A_64 = arith.andi %ge3A_60, %lt3A_63 : vector<16xi1>
    %div3A = arith.constant 200 : i32
    %div3A_65 = vector.broadcast %div3A : i32 to vector<16xi32>
    %div3A_66 = arith.divsi %add3A_55, %div3A_65 : vector<16xi32>
    %ge3A_67 = arith.constant 100000 : i32
    %ge3A_68 = vector.broadcast %ge3A_67 : i32 to vector<16xi32>
    %ge3A_69 = arith.cmpi sge, %get3A_50, %ge3A_68 : vector<16xi32>
    %mul3A_70 = arith.constant 50 : i32
    %mul3A_71 = vector.broadcast %mul3A_70 : i32 to vector<16xi32>
    %mul3A_72 = arith.muli %div3A_66, %mul3A_71 : vector<16xi32>
    %sub3A_73 = arith.constant 100000 : i32
    %sub3A_74 = vector.broadcast %sub3A_73 : i32 to vector<16xi32>
    %sub3A_75 = arith.subi %get3A_50, %sub3A_74 : vector<16xi32>
    %add3A_76 = arith.addi %mul3A_72, %sub3A_75 : vector<16xi32>
    %rem3A_77 = arith.constant 200 : i32
    %rem3A_78 = vector.broadcast %rem3A_77 : i32 to vector<16xi32>
    %rem3A_79 = arith.remsi %add3A_55, %rem3A_78 : vector<16xi32>
    %select_n3A_80 = arith.select %ge3A_69, %add3A_76, %rem3A_79 : vector<16xi1>, vector<16xi32>
    tpu.vector_store_idx %arg10[%sub3A_57], %select_n3A_80 masked %and3A_64 : memref<32xi32, #tpu.memory_space<vmem>>[vector<16xi32>], vector<16xi32>, vector<16xi1>
    %rem3A_81 = arith.constant 200 : i32
    %rem3A_82 = vector.broadcast %rem3A_81 : i32 to vector<16xi32>
    %rem3A_83 = arith.remsi %add3A_55, %rem3A_82 : vector<16xi32>
    tpu.vector_store_idx %arg11[%sub3A_57], %rem3A_83 masked %and3A_64 : memref<32xi32, #tpu.memory_space<vmem>>[vector<16xi32>], vector<16xi32>, vector<16xi1>
    %jit3A = arith.constant 1.000000e+00 : f32
    %jit3A_84 = arith.constant 0.000000e+00 : f32
    %broadcast_in_dim3A = vector.broadcast %jit3A : f32 to vector<16xf32>
    %broadcast_in_dim3A_85 = vector.broadcast %jit3A_84 : f32 to vector<16xf32>
    %select_n3A_86 = arith.select %ge3A_69, %broadcast_in_dim3A, %broadcast_in_dim3A_85 : vector<16xi1>, vector<16xf32>
    tpu.vector_store_idx %arg12[%sub3A_57], %select_n3A_86 masked %and3A_64 : memref<32xf32, #tpu.memory_space<vmem>>[vector<16xi32>], vector<16xf32>, vector<16xi1>
    tpu.vector_store_idx %arg18[%sub3A_57], %add3A_55 masked %and3A_64 : memref<25xi32, #tpu.memory_space<vmem>>[vector<16xi32>], vector<16xi32>, vector<16xi1>
    %get3A_87 = arith.constant 16 : index
    %get3A_88 = tpu.vector_load %arg8[%get3A_87] {strides = array<i32>} : memref<32xi32, #tpu.memory_space<vmem>>, vector<16xi32>,
    %add3A_89 = arith.constant 16 : i32
    %add3A_90 = arith.addi %multiple_of3A, %add3A_89 : i32
    %iota3A_91 = tpu.iota {dimensions = array<i32: 0>} : vector<16xi32>
    %add3A_92 = vector.broadcast %add3A_90 : i32 to vector<16xi32>
    %add3A_93 = arith.addi %add3A_92, %iota3A_91 : vector<16xi32>
    %sub3A_94 = vector.broadcast %mul3A_2 : i32 to vector<16xi32>
    %sub3A_95 = arith.subi %add3A_93, %sub3A_94 : vector<16xi32>
    %ge3A_96 = arith.constant 0 : i32
    %ge3A_97 = vector.broadcast %ge3A_96 : i32 to vector<16xi32>
    %ge3A_98 = arith.cmpi sge, %sub3A_95, %ge3A_97 : vector<16xi32>
    %lt3A_99 = arith.constant 25 : i32
    %lt3A_100 = vector.broadcast %lt3A_99 : i32 to vector<16xi32>
    %lt3A_101 = arith.cmpi slt, %sub3A_95, %lt3A_100 : vector<16xi32>
    %and3A_102 = arith.andi %ge3A_98, %lt3A_101 : vector<16xi1>
    %div3A_103 = arith.constant 200 : i32
    %div3A_104 = vector.broadcast %div3A_103 : i32 to vector<16xi32>
    %div3A_105 = arith.divsi %add3A_93, %div3A_104 : vector<16xi32>
    %ge3A_106 = arith.constant 100000 : i32
    %ge3A_107 = vector.broadcast %ge3A_106 : i32 to vector<16xi32>
    %ge3A_108 = arith.cmpi sge, %get3A_88, %ge3A_107 : vector<16xi32>
    %mul3A_109 = arith.constant 50 : i32
    %mul3A_110 = vector.broadcast %mul3A_109 : i32 to vector<16xi32>
    %mul3A_111 = arith.muli %div3A_105, %mul3A_110 : vector<16xi32>
    %sub3A_112 = arith.constant 100000 : i32
    %sub3A_113 = vector.broadcast %sub3A_112 : i32 to vector<16xi32>
    %sub3A_114 = arith.subi %get3A_88, %sub3A_113 : vector<16xi32>
    %add3A_115 = arith.addi %mul3A_111, %sub3A_114 : vector<16xi32>
    %rem3A_116 = arith.constant 200 : i32
    %rem3A_117 = vector.broadcast %rem3A_116 : i32 to vector<16xi32>
    %rem3A_118 = arith.remsi %add3A_93, %rem3A_117 : vector<16xi32>
    %select_n3A_119 = arith.select %ge3A_108, %add3A_115, %rem3A_118 : vector<16xi1>, vector<16xi32>
    tpu.vector_store_idx %arg10[%sub3A_95], %select_n3A_119 masked %and3A_102 : memref<32xi32, #tpu.memory_space<vmem>>[vector<16xi32>], vector<16xi32>, vector<16xi1>
    %rem3A_120 = arith.constant 200 : i32
    %rem3A_121 = vector.broadcast %rem3A_120 : i32 to vector<16xi32>
    %rem3A_122 = arith.remsi %add3A_93, %rem3A_121 : vector<16xi32>
    tpu.vector_store_idx %arg11[%sub3A_95], %rem3A_122 masked %and3A_102 : memref<32xi32, #tpu.memory_space<vmem>>[vector<16xi32>], vector<16xi32>, vector<16xi1>
    %jit3A_123 = arith.constant 1.000000e+00 : f32
    %jit3A_124 = arith.constant 0.000000e+00 : f32
    %broadcast_in_dim3A_125 = vector.broadcast %jit3A_123 : f32 to vector<16xf32>
    %broadcast_in_dim3A_126 = vector.broadcast %jit3A_124 : f32 to vector<16xf32>
    %select_n3A_127 = arith.select %ge3A_108, %broadcast_in_dim3A_125, %broadcast_in_dim3A_126 : vector<16xi1>, vector<16xf32>
    tpu.vector_store_idx %arg12[%sub3A_95], %select_n3A_127 masked %and3A_102 : memref<32xf32, #tpu.memory_space<vmem>>[vector<16xi32>], vector<16xf32>, vector<16xi1>
    tpu.vector_store_idx %arg18[%sub3A_95], %add3A_93 masked %and3A_102 : memref<25xi32, #tpu.memory_space<vmem>>[vector<16xi32>], vector<16xi32>, vector<16xi1>
    %dma_start3A_128 = arith.constant 0 : i32
    %dma_start3A_129 = tpu.memref_slice %arg10[%dma_start3A_128] : memref<32xi32, #tpu.memory_space<vmem>> -> memref<25xi32, #tpu.memory_space<vmem>>
    %dma_start3A_130 = arith.constant 0 : i32
    %dma_start3A_131 = arith.constant 0 : i32
    %dma_start3A_132 = tpu.memref_slice %arg3[%dma_start3A_130, %dma_start3A_131] : memref<200x128xf32, #tpu.memory_space<hbm>> -> memref<200x128xf32, #tpu.memory_space<hbm>>
    tpu.enqueue_indirect_dma source(%dma_start3A_132 : memref<200x128xf32, #tpu.memory_space<hbm>>) target(%arg14 : memref<25x128xf32, #tpu.memory_space<vmem>>) offsets(%dma_start3A_129 : memref<25xi32, #tpu.memory_space<vmem>>) semaphore(%arg20 : memref<!tpu.dma_semaphore, #tpu.memory_space<semaphore_mem>>)
    %dma_start3A_133 = arith.constant 0 : i32
    %dma_start3A_134 = tpu.memref_slice %arg11[%dma_start3A_133] : memref<32xi32, #tpu.memory_space<vmem>> -> memref<25xi32, #tpu.memory_space<vmem>>
    %dma_start3A_135 = arith.constant 0 : i32
    %dma_start3A_136 = arith.constant 0 : i32
    %dma_start3A_137 = tpu.memref_slice %arg5[%dma_start3A_135, %dma_start3A_136] : memref<512x128xf32, #tpu.memory_space<hbm>> -> memref<512x128xf32, #tpu.memory_space<hbm>>
    tpu.enqueue_indirect_dma source(%dma_start3A_137 : memref<512x128xf32, #tpu.memory_space<hbm>>) target(%arg15 : memref<25x128xf32, #tpu.memory_space<vmem>>) offsets(%dma_start3A_134 : memref<25xi32, #tpu.memory_space<vmem>>) semaphore(%arg21 : memref<!tpu.dma_semaphore, #tpu.memory_space<semaphore_mem>>)
    "tpu.region"() ({
      %run_scoped3A = tpu.sem_alloc : memref<!tpu.dma_semaphore, #tpu.memory_space<semaphore_mem>>
      tpu.enqueue_dma source(%arg6 : memref<8x128xf32, #tpu.memory_space<hbm>>) target(%arg16 : memref<8x128xf32, #tpu.memory_space<vmem>>) target_semaphore(%run_scoped3A : memref<!tpu.dma_semaphore, #tpu.memory_space<semaphore_mem>>)
      tpu.wait_dma2 semaphore(%run_scoped3A : memref<!tpu.dma_semaphore, #tpu.memory_space<semaphore_mem>>) src(%arg6 : memref<8x128xf32, #tpu.memory_space<hbm>>) dst(%arg16 : memref<8x128xf32, #tpu.memory_space<vmem>>)
      tpu.yield
    }) : () -> ()
    %dma_wait3A = arith.constant 0 : i32
    %dma_wait3A_138 = tpu.memref_slice %arg9[%dma_wait3A] : memref<32xi32, #tpu.memory_space<vmem>> -> memref<25xi32, #tpu.memory_space<vmem>>
    %dma_wait3A_139 = arith.constant 0 : i32
    %dma_wait3A_140 = arith.constant 0 : i32
    %dma_wait3A_141 = tpu.memref_slice %arg2[%dma_wait3A_139, %dma_wait3A_140] : memref<100000x128xf32, #tpu.memory_space<hbm>> -> memref<100000x128xf32, #tpu.memory_space<hbm>>
    tpu.wait_indirect_dma semaphore(%arg19 : memref<!tpu.dma_semaphore, #tpu.memory_space<semaphore_mem>>) src(%dma_wait3A_141 : memref<100000x128xf32, #tpu.memory_space<hbm>>) dst(%arg13 : memref<25x128xf32, #tpu.memory_space<vmem>>)
    %dma_wait3A_142 = arith.constant 0 : i32
    %dma_wait3A_143 = tpu.memref_slice %arg10[%dma_wait3A_142] : memref<32xi32, #tpu.memory_space<vmem>> -> memref<25xi32, #tpu.memory_space<vmem>>
    %dma_wait3A_144 = arith.constant 0 : i32
    %dma_wait3A_145 = arith.constant 0 : i32
    %dma_wait3A_146 = tpu.memref_slice %arg3[%dma_wait3A_144, %dma_wait3A_145] : memref<200x128xf32, #tpu.memory_space<hbm>> -> memref<200x128xf32, #tpu.memory_space<hbm>>
    tpu.wait_indirect_dma semaphore(%arg20 : memref<!tpu.dma_semaphore, #tpu.memory_space<semaphore_mem>>) src(%dma_wait3A_146 : memref<200x128xf32, #tpu.memory_space<hbm>>) dst(%arg14 : memref<25x128xf32, #tpu.memory_space<vmem>>)
    %dma_wait3A_147 = arith.constant 0 : i32
    %dma_wait3A_148 = tpu.memref_slice %arg11[%dma_wait3A_147] : memref<32xi32, #tpu.memory_space<vmem>> -> memref<25xi32, #tpu.memory_space<vmem>>
    %dma_wait3A_149 = arith.constant 0 : i32
    %dma_wait3A_150 = arith.constant 0 : i32
    %dma_wait3A_151 = tpu.memref_slice %arg5[%dma_wait3A_149, %dma_wait3A_150] : memref<512x128xf32, #tpu.memory_space<hbm>> -> memref<512x128xf32, #tpu.memory_space<hbm>>
    tpu.wait_indirect_dma semaphore(%arg21 : memref<!tpu.dma_semaphore, #tpu.memory_space<semaphore_mem>>) src(%dma_wait3A_151 : memref<512x128xf32, #tpu.memory_space<hbm>>) dst(%arg15 : memref<25x128xf32, #tpu.memory_space<vmem>>)
    %get3A_152 = arith.constant 6 : i32
    %get3A_153 = arith.index_cast %get3A_152 : i32 to index
    %get3A_154 = arith.constant 0 : index
    %get3A_155 = tpu.vector_load %arg16[%get3A_153, %get3A_154] {strides = array<i32>} : memref<8x128xf32, #tpu.memory_space<vmem>>, vector<16xf32>,
    %get3A_156 = arith.constant 6 : i32
    %get3A_157 = arith.index_cast %get3A_156 : i32 to index
    %get3A_158 = arith.constant 16 : index
    %get3A_159 = tpu.vector_load %arg16[%get3A_157, %get3A_158] {strides = array<i32>} : memref<8x128xf32, #tpu.memory_space<vmem>>, vector<16xf32>,
    %get3A_160 = arith.constant 6 : i32
    %get3A_161 = arith.index_cast %get3A_160 : i32 to index
    %get3A_162 = arith.constant 32 : index
    %get3A_163 = tpu.vector_load %arg16[%get3A_161, %get3A_162] {strides = array<i32>} : memref<8x128xf32, #tpu.memory_space<vmem>>, vector<16xf32>,
    %get3A_164 = arith.constant 6 : i32
    %get3A_165 = arith.index_cast %get3A_164 : i32 to index
    %get3A_166 = arith.constant 48 : index
    %get3A_167 = tpu.vector_load %arg16[%get3A_165, %get3A_166] {strides = array<i32>} : memref<8x128xf32, #tpu.memory_space<vmem>>, vector<16xf32>,
    %get3A_168 = arith.constant 6 : i32
    %get3A_169 = arith.index_cast %get3A_168 : i32 to index
    %get3A_170 = arith.constant 64 : index
    %get3A_171 = tpu.vector_load %arg16[%get3A_169, %get3A_170] {strides = array<i32>} : memref<8x128xf32, #tpu.memory_space<vmem>>, vector<16xf32>,
    %get3A_172 = arith.constant 6 : i32
    %get3A_173 = arith.index_cast %get3A_172 : i32 to index
    %get3A_174 = arith.constant 80 : index
    %get3A_175 = tpu.vector_load %arg16[%get3A_173, %get3A_174] {strides = array<i32>} : memref<8x128xf32, #tpu.memory_space<vmem>>, vector<16xf32>,
    %get3A_176 = arith.constant 6 : i32
    %get3A_177 = arith.index_cast %get3A_176 : i32 to index
    %get3A_178 = arith.constant 96 : index
    %get3A_179 = tpu.vector_load %arg16[%get3A_177, %get3A_178] {strides = array<i32>} : memref<8x128xf32, #tpu.memory_space<vmem>>, vector<16xf32>,
    %get3A_180 = arith.constant 6 : i32
    %get3A_181 = arith.index_cast %get3A_180 : i32 to index
    %get3A_182 = arith.constant 112 : index
    %get3A_183 = tpu.vector_load %arg16[%get3A_181, %get3A_182] {strides = array<i32>} : memref<8x128xf32, #tpu.memory_space<vmem>>, vector<16xf32>,
    %parallel_loop3A = arith.constant 0 : i32
    %parallel_loop3A_184 = arith.constant 25 : i32
    %parallel_loop3A_185 = arith.constant 1 : i32
    scf.for %parallel_loop3A_192 = %parallel_loop3A to %parallel_loop3A_184 step %parallel_loop3A_185  : i32 {
      %parallel_loop3A_193 = arith.constant 16 : i32
      %parallel_loop3A_194 = arith.divsi %parallel_loop3A_192, %parallel_loop3A_193 : i32
      %parallel_loop3A_195 = arith.constant 0 : i32
      %parallel_loop3A_196 = arith.cmpi sgt, %parallel_loop3A_192, %parallel_loop3A_195 : i32
      %parallel_loop3A_197 = arith.extui %parallel_loop3A_196 : i1 to i32
      %parallel_loop3A_198 = arith.constant 0 : i32
      %parallel_loop3A_199 = arith.cmpi slt, %parallel_loop3A_192, %parallel_loop3A_198 : i32
      %parallel_loop3A_200 = arith.extui %parallel_loop3A_199 : i1 to i32
      %parallel_loop3A_201 = arith.subi %parallel_loop3A_197, %parallel_loop3A_200 : i32
      %parallel_loop3A_202 = arith.constant 0 : i32
      %parallel_loop3A_203 = arith.cmpi sgt, %parallel_loop3A_193, %parallel_loop3A_202 : i32
      %parallel_loop3A_204 = arith.extui %parallel_loop3A_203 : i1 to i32
      %parallel_loop3A_205 = arith.constant 0 : i32
      %parallel_loop3A_206 = arith.cmpi slt, %parallel_loop3A_193, %parallel_loop3A_205 : i32
      %parallel_loop3A_207 = arith.extui %parallel_loop3A_206 : i1 to i32
      %parallel_loop3A_208 = arith.subi %parallel_loop3A_204, %parallel_loop3A_207 : i32
      %parallel_loop3A_209 = arith.cmpi ne, %parallel_loop3A_201, %parallel_loop3A_208 : i32
      %parallel_loop3A_210 = arith.remsi %parallel_loop3A_192, %parallel_loop3A_193 : i32
      %parallel_loop3A_211 = arith.constant 0 : i32
      %parallel_loop3A_212 = arith.cmpi ne, %parallel_loop3A_210, %parallel_loop3A_211 : i32
      %parallel_loop3A_213 = arith.andi %parallel_loop3A_209, %parallel_loop3A_212 : i1
      %parallel_loop3A_214 = arith.constant 1 : i32
      %parallel_loop3A_215 = arith.subi %parallel_loop3A_194, %parallel_loop3A_214 : i32
      %parallel_loop3A_216 = arith.select %parallel_loop3A_213, %parallel_loop3A_215, %parallel_loop3A_194 : i32
      %parallel_loop3A_217 = arith.constant 16 : i32
      %parallel_loop3A_218 = arith.muli %parallel_loop3A_216, %parallel_loop3A_217 : i32
      %parallel_loop3A_219 = arith.index_cast %parallel_loop3A_218 : i32 to index
      %parallel_loop3A_220 = tpu.vector_load %arg12[%parallel_loop3A_219] {strides = array<i32>} : memref<32xf32, #tpu.memory_space<vmem>>, vector<16xf32>,
      %parallel_loop3A_221 = arith.constant 16 : i32
      %parallel_loop3A_222 = arith.constant 0 : i32
      %parallel_loop3A_223 = arith.cmpi eq, %parallel_loop3A_221, %parallel_loop3A_222 : i32
      %parallel_loop3A_224 = arith.constant 1 : i32
      %parallel_loop3A_225 = arith.select %parallel_loop3A_223, %parallel_loop3A_224, %parallel_loop3A_221 : i32
      %parallel_loop3A_226 = arith.remsi %parallel_loop3A_192, %parallel_loop3A_225 : i32
      %parallel_loop3A_227 = arith.constant 0 : i32
      %parallel_loop3A_228 = arith.cmpi ne, %parallel_loop3A_226, %parallel_loop3A_227 : i32
      %parallel_loop3A_229 = arith.constant 0 : i32
      %parallel_loop3A_230 = arith.cmpi slt, %parallel_loop3A_226, %parallel_loop3A_229 : i32
      %parallel_loop3A_231 = arith.constant 0 : i32
      %parallel_loop3A_232 = arith.cmpi slt, %parallel_loop3A_225, %parallel_loop3A_231 : i32
      %parallel_loop3A_233 = arith.xori %parallel_loop3A_230, %parallel_loop3A_232 : i1
      %parallel_loop3A_234 = arith.andi %parallel_loop3A_233, %parallel_loop3A_228 : i1
      %parallel_loop3A_235 = arith.addi %parallel_loop3A_226, %parallel_loop3A_225 : i32
      %parallel_loop3A_236 = arith.select %parallel_loop3A_234, %parallel_loop3A_235, %parallel_loop3A_226 : i32
      %parallel_loop3A_237 = vector.broadcast %parallel_loop3A_236 : i32 to vector<16xi32>
      %parallel_loop3A_238 = vector.shape_cast %parallel_loop3A_237 : vector<16xi32> to vector<16x1xi32>
      %parallel_loop3A_239 = vector.shape_cast %parallel_loop3A_238 : vector<16x1xi32> to vector<16xi32>
      %parallel_loop3A_240 = tpu.dynamic_gather %parallel_loop3A_220[%parallel_loop3A_239] in [0] : vector<16xf32>, vector<16xi32> -> vector<16xf32>
      %parallel_loop3A_241 = arith.constant 0.000000e+00 : f32
      %parallel_loop3A_242 = vector.broadcast %parallel_loop3A_241 : f32 to vector<16xf32>
      %parallel_loop3A_243 = arith.constant 0.000000e+00 : f32
      %parallel_loop3A_244 = vector.broadcast %parallel_loop3A_243 : f32 to vector<16xf32>
      %parallel_loop3A_245 = arith.constant 0.000000e+00 : f32
      %parallel_loop3A_246 = vector.broadcast %parallel_loop3A_245 : f32 to vector<16xf32>
      %parallel_loop3A_247 = arith.constant 0.000000e+00 : f32
      %parallel_loop3A_248 = vector.broadcast %parallel_loop3A_247 : f32 to vector<16xf32>
      %parallel_loop3A_249 = arith.index_cast %parallel_loop3A_192 : i32 to index
      %parallel_loop3A_250 = arith.constant 0 : index
      %parallel_loop3A_251 = tpu.vector_load %arg13[%parallel_loop3A_249, %parallel_loop3A_250] {strides = array<i32>} : memref<25x128xf32, #tpu.memory_space<vmem>>, vector<16xf32>,
      %parallel_loop3A_252 = arith.index_cast %parallel_loop3A_192 : i32 to index
      %parallel_loop3A_253 = arith.constant 0 : index
      %parallel_loop3A_254 = tpu.vector_load %arg14[%parallel_loop3A_252, %parallel_loop3A_253] {strides = array<i32>} : memref<25x128xf32, #tpu.memory_space<vmem>>, vector<16xf32>,
      %parallel_loop3A_255 = arith.subf %parallel_loop3A_254, %parallel_loop3A_251 : vector<16xf32>
      %parallel_loop3A_256 = arith.mulf %parallel_loop3A_240, %parallel_loop3A_255 : vector<16xf32>
      %parallel_loop3A_257 = arith.addf %parallel_loop3A_251, %parallel_loop3A_256 : vector<16xf32>
      %parallel_loop3A_258 = arith.addf %parallel_loop3A_242, %parallel_loop3A_257 : vector<16xf32>
      %parallel_loop3A_259 = arith.mulf %parallel_loop3A_257, %parallel_loop3A_257 : vector<16xf32>
      %parallel_loop3A_260 = arith.addf %parallel_loop3A_244, %parallel_loop3A_259 : vector<16xf32>
      %parallel_loop3A_261 = arith.index_cast %parallel_loop3A_192 : i32 to index
      %parallel_loop3A_262 = arith.constant 0 : index
      %parallel_loop3A_263 = tpu.vector_load %arg15[%parallel_loop3A_261, %parallel_loop3A_262] {strides = array<i32>} : memref<25x128xf32, #tpu.memory_space<vmem>>, vector<16xf32>,
      %parallel_loop3A_264 = arith.addf %parallel_loop3A_263, %get3A_155 : vector<16xf32>
      %parallel_loop3A_265 = arith.addf %parallel_loop3A_246, %parallel_loop3A_264 : vector<16xf32>
      %parallel_loop3A_266 = arith.mulf %parallel_loop3A_264, %parallel_loop3A_264 : vector<16xf32>
      %parallel_loop3A_267 = arith.addf %parallel_loop3A_248, %parallel_loop3A_266 : vector<16xf32>
      %parallel_loop3A_268 = arith.index_cast %parallel_loop3A_192 : i32 to index
      %parallel_loop3A_269 = arith.constant 16 : index
      %parallel_loop3A_270 = tpu.vector_load %arg13[%parallel_loop3A_268, %parallel_loop3A_269] {strides = array<i32>} : memref<25x128xf32, #tpu.memory_space<vmem>>, vector<16xf32>,
      %parallel_loop3A_271 = arith.index_cast %parallel_loop3A_192 : i32 to index
      %parallel_loop3A_272 = arith.constant 16 : index
      %parallel_loop3A_273 = tpu.vector_load %arg14[%parallel_loop3A_271, %parallel_loop3A_272] {strides = array<i32>} : memref<25x128xf32, #tpu.memory_space<vmem>>, vector<16xf32>,
      %parallel_loop3A_274 = arith.subf %parallel_loop3A_273, %parallel_loop3A_270 : vector<16xf32>
      %parallel_loop3A_275 = arith.mulf %parallel_loop3A_240, %parallel_loop3A_274 : vector<16xf32>
      %parallel_loop3A_276 = arith.addf %parallel_loop3A_270, %parallel_loop3A_275 : vector<16xf32>
      %parallel_loop3A_277 = arith.addf %parallel_loop3A_258, %parallel_loop3A_276 : vector<16xf32>
      %parallel_loop3A_278 = arith.mulf %parallel_loop3A_276, %parallel_loop3A_276 : vector<16xf32>
      %parallel_loop3A_279 = arith.addf %parallel_loop3A_260, %parallel_loop3A_278 : vector<16xf32>
      %parallel_loop3A_280 = arith.index_cast %parallel_loop3A_192 : i32 to index
      %parallel_loop3A_281 = arith.constant 16 : index
      %parallel_loop3A_282 = tpu.vector_load %arg15[%parallel_loop3A_280, %parallel_loop3A_281] {strides = array<i32>} : memref<25x128xf32, #tpu.memory_space<vmem>>, vector<16xf32>,
      %parallel_loop3A_283 = arith.addf %parallel_loop3A_282, %get3A_159 : vector<16xf32>
      %parallel_loop3A_284 = arith.addf %parallel_loop3A_265, %parallel_loop3A_283 : vector<16xf32>
      %parallel_loop3A_285 = arith.mulf %parallel_loop3A_283, %parallel_loop3A_283 : vector<16xf32>
      %parallel_loop3A_286 = arith.addf %parallel_loop3A_267, %parallel_loop3A_285 : vector<16xf32>
      %parallel_loop3A_287 = arith.index_cast %parallel_loop3A_192 : i32 to index
      %parallel_loop3A_288 = arith.constant 32 : index
      %parallel_loop3A_289 = tpu.vector_load %arg13[%parallel_loop3A_287, %parallel_loop3A_288] {strides = array<i32>} : memref<25x128xf32, #tpu.memory_space<vmem>>, vector<16xf32>,
      %parallel_loop3A_290 = arith.index_cast %parallel_loop3A_192 : i32 to index
      %parallel_loop3A_291 = arith.constant 32 : index
      %parallel_loop3A_292 = tpu.vector_load %arg14[%parallel_loop3A_290, %parallel_loop3A_291] {strides = array<i32>} : memref<25x128xf32, #tpu.memory_space<vmem>>, vector<16xf32>,
      %parallel_loop3A_293 = arith.subf %parallel_loop3A_292, %parallel_loop3A_289 : vector<16xf32>
      %parallel_loop3A_294 = arith.mulf %parallel_loop3A_240, %parallel_loop3A_293 : vector<16xf32>
      %parallel_loop3A_295 = arith.addf %parallel_loop3A_289, %parallel_loop3A_294 : vector<16xf32>
      %parallel_loop3A_296 = arith.addf %parallel_loop3A_277, %parallel_loop3A_295 : vector<16xf32>
      %parallel_loop3A_297 = arith.mulf %parallel_loop3A_295, %parallel_loop3A_295 : vector<16xf32>
      %parallel_loop3A_298 = arith.addf %parallel_loop3A_279, %parallel_loop3A_297 : vector<16xf32>
      %parallel_loop3A_299 = arith.index_cast %parallel_loop3A_192 : i32 to index
      %parallel_loop3A_300 = arith.constant 32 : index
      %parallel_loop3A_301 = tpu.vector_load %arg15[%parallel_loop3A_299, %parallel_loop3A_300] {strides = array<i32>} : memref<25x128xf32, #tpu.memory_space<vmem>>, vector<16xf32>,
      %parallel_loop3A_302 = arith.addf %parallel_loop3A_301, %get3A_163 : vector<16xf32>
      %parallel_loop3A_303 = arith.addf %parallel_loop3A_284, %parallel_loop3A_302 : vector<16xf32>
      %parallel_loop3A_304 = arith.mulf %parallel_loop3A_302, %parallel_loop3A_302 : vector<16xf32>
      %parallel_loop3A_305 = arith.addf %parallel_loop3A_286, %parallel_loop3A_304 : vector<16xf32>
      %parallel_loop3A_306 = arith.index_cast %parallel_loop3A_192 : i32 to index
      %parallel_loop3A_307 = arith.constant 48 : index
      %parallel_loop3A_308 = tpu.vector_load %arg13[%parallel_loop3A_306, %parallel_loop3A_307] {strides = array<i32>} : memref<25x128xf32, #tpu.memory_space<vmem>>, vector<16xf32>,
      %parallel_loop3A_309 = arith.index_cast %parallel_loop3A_192 : i32 to index
      %parallel_loop3A_310 = arith.constant 48 : index
      %parallel_loop3A_311 = tpu.vector_load %arg14[%parallel_loop3A_309, %parallel_loop3A_310] {strides = array<i32>} : memref<25x128xf32, #tpu.memory_space<vmem>>, vector<16xf32>,
      %parallel_loop3A_312 = arith.subf %parallel_loop3A_311, %parallel_loop3A_308 : vector<16xf32>
      %parallel_loop3A_313 = arith.mulf %parallel_loop3A_240, %parallel_loop3A_312 : vector<16xf32>
      %parallel_loop3A_314 = arith.addf %parallel_loop3A_308, %parallel_loop3A_313 : vector<16xf32>
      %parallel_loop3A_315 = arith.addf %parallel_loop3A_296, %parallel_loop3A_314 : vector<16xf32>
      %parallel_loop3A_316 = arith.mulf %parallel_loop3A_314, %parallel_loop3A_314 : vector<16xf32>
      %parallel_loop3A_317 = arith.addf %parallel_loop3A_298, %parallel_loop3A_316 : vector<16xf32>
      %parallel_loop3A_318 = arith.index_cast %parallel_loop3A_192 : i32 to index
      %parallel_loop3A_319 = arith.constant 48 : index
      %parallel_loop3A_320 = tpu.vector_load %arg15[%parallel_loop3A_318, %parallel_loop3A_319] {strides = array<i32>} : memref<25x128xf32, #tpu.memory_space<vmem>>, vector<16xf32>,
      %parallel_loop3A_321 = arith.addf %parallel_loop3A_320, %get3A_167 : vector<16xf32>
      %parallel_loop3A_322 = arith.addf %parallel_loop3A_303, %parallel_loop3A_321 : vector<16xf32>
      %parallel_loop3A_323 = arith.mulf %parallel_loop3A_321, %parallel_loop3A_321 : vector<16xf32>
      %parallel_loop3A_324 = arith.addf %parallel_loop3A_305, %parallel_loop3A_323 : vector<16xf32>
      %parallel_loop3A_325 = arith.index_cast %parallel_loop3A_192 : i32 to index
      %parallel_loop3A_326 = arith.constant 64 : index
      %parallel_loop3A_327 = tpu.vector_load %arg13[%parallel_loop3A_325, %parallel_loop3A_326] {strides = array<i32>} : memref<25x128xf32, #tpu.memory_space<vmem>>, vector<16xf32>,
      %parallel_loop3A_328 = arith.index_cast %parallel_loop3A_192 : i32 to index
      %parallel_loop3A_329 = arith.constant 64 : index
      %parallel_loop3A_330 = tpu.vector_load %arg14[%parallel_loop3A_328, %parallel_loop3A_329] {strides = array<i32>} : memref<25x128xf32, #tpu.memory_space<vmem>>, vector<16xf32>,
      %parallel_loop3A_331 = arith.subf %parallel_loop3A_330, %parallel_loop3A_327 : vector<16xf32>
      %parallel_loop3A_332 = arith.mulf %parallel_loop3A_240, %parallel_loop3A_331 : vector<16xf32>
      %parallel_loop3A_333 = arith.addf %parallel_loop3A_327, %parallel_loop3A_332 : vector<16xf32>
      %parallel_loop3A_334 = arith.addf %parallel_loop3A_315, %parallel_loop3A_333 : vector<16xf32>
      %parallel_loop3A_335 = arith.mulf %parallel_loop3A_333, %parallel_loop3A_333 : vector<16xf32>
      %parallel_loop3A_336 = arith.addf %parallel_loop3A_317, %parallel_loop3A_335 : vector<16xf32>
      %parallel_loop3A_337 = arith.index_cast %parallel_loop3A_192 : i32 to index
      %parallel_loop3A_338 = arith.constant 64 : index
      %parallel_loop3A_339 = tpu.vector_load %arg15[%parallel_loop3A_337, %parallel_loop3A_338] {strides = array<i32>} : memref<25x128xf32, #tpu.memory_space<vmem>>, vector<16xf32>,
      %parallel_loop3A_340 = arith.addf %parallel_loop3A_339, %get3A_171 : vector<16xf32>
      %parallel_loop3A_341 = arith.addf %parallel_loop3A_322, %parallel_loop3A_340 : vector<16xf32>
      %parallel_loop3A_342 = arith.mulf %parallel_loop3A_340, %parallel_loop3A_340 : vector<16xf32>
      %parallel_loop3A_343 = arith.addf %parallel_loop3A_324, %parallel_loop3A_342 : vector<16xf32>
      %parallel_loop3A_344 = arith.index_cast %parallel_loop3A_192 : i32 to index
      %parallel_loop3A_345 = arith.constant 80 : index
      %parallel_loop3A_346 = tpu.vector_load %arg13[%parallel_loop3A_344, %parallel_loop3A_345] {strides = array<i32>} : memref<25x128xf32, #tpu.memory_space<vmem>>, vector<16xf32>,
      %parallel_loop3A_347 = arith.index_cast %parallel_loop3A_192 : i32 to index
      %parallel_loop3A_348 = arith.constant 80 : index
      %parallel_loop3A_349 = tpu.vector_load %arg14[%parallel_loop3A_347, %parallel_loop3A_348] {strides = array<i32>} : memref<25x128xf32, #tpu.memory_space<vmem>>, vector<16xf32>,
      %parallel_loop3A_350 = arith.subf %parallel_loop3A_349, %parallel_loop3A_346 : vector<16xf32>
      %parallel_loop3A_351 = arith.mulf %parallel_loop3A_240, %parallel_loop3A_350 : vector<16xf32>
      %parallel_loop3A_352 = arith.addf %parallel_loop3A_346, %parallel_loop3A_351 : vector<16xf32>
      %parallel_loop3A_353 = arith.addf %parallel_loop3A_334, %parallel_loop3A_352 : vector<16xf32>
      %parallel_loop3A_354 = arith.mulf %parallel_loop3A_352, %parallel_loop3A_352 : vector<16xf32>
      %parallel_loop3A_355 = arith.addf %parallel_loop3A_336, %parallel_loop3A_354 : vector<16xf32>
      %parallel_loop3A_356 = arith.index_cast %parallel_loop3A_192 : i32 to index
      %parallel_loop3A_357 = arith.constant 80 : index
      %parallel_loop3A_358 = tpu.vector_load %arg15[%parallel_loop3A_356, %parallel_loop3A_357] {strides = array<i32>} : memref<25x128xf32, #tpu.memory_space<vmem>>, vector<16xf32>,
      %parallel_loop3A_359 = arith.addf %parallel_loop3A_358, %get3A_175 : vector<16xf32>
      %parallel_loop3A_360 = arith.addf %parallel_loop3A_341, %parallel_loop3A_359 : vector<16xf32>
      %parallel_loop3A_361 = arith.mulf %parallel_loop3A_359, %parallel_loop3A_359 : vector<16xf32>
      %parallel_loop3A_362 = arith.addf %parallel_loop3A_343, %parallel_loop3A_361 : vector<16xf32>
      %parallel_loop3A_363 = arith.index_cast %parallel_loop3A_192 : i32 to index
      %parallel_loop3A_364 = arith.constant 96 : index
      %parallel_loop3A_365 = tpu.vector_load %arg13[%parallel_loop3A_363, %parallel_loop3A_364] {strides = array<i32>} : memref<25x128xf32, #tpu.memory_space<vmem>>, vector<16xf32>,
      %parallel_loop3A_366 = arith.index_cast %parallel_loop3A_192 : i32 to index
      %parallel_loop3A_367 = arith.constant 96 : index
      %parallel_loop3A_368 = tpu.vector_load %arg14[%parallel_loop3A_366, %parallel_loop3A_367] {strides = array<i32>} : memref<25x128xf32, #tpu.memory_space<vmem>>, vector<16xf32>,
      %parallel_loop3A_369 = arith.subf %parallel_loop3A_368, %parallel_loop3A_365 : vector<16xf32>
      %parallel_loop3A_370 = arith.mulf %parallel_loop3A_240, %parallel_loop3A_369 : vector<16xf32>
      %parallel_loop3A_371 = arith.addf %parallel_loop3A_365, %parallel_loop3A_370 : vector<16xf32>
      %parallel_loop3A_372 = arith.addf %parallel_loop3A_353, %parallel_loop3A_371 : vector<16xf32>
      %parallel_loop3A_373 = arith.mulf %parallel_loop3A_371, %parallel_loop3A_371 : vector<16xf32>
      %parallel_loop3A_374 = arith.addf %parallel_loop3A_355, %parallel_loop3A_373 : vector<16xf32>
      %parallel_loop3A_375 = arith.index_cast %parallel_loop3A_192 : i32 to index
      %parallel_loop3A_376 = arith.constant 96 : index
      %parallel_loop3A_377 = tpu.vector_load %arg15[%parallel_loop3A_375, %parallel_loop3A_376] {strides = array<i32>} : memref<25x128xf32, #tpu.memory_space<vmem>>, vector<16xf32>,
      %parallel_loop3A_378 = arith.addf %parallel_loop3A_377, %get3A_179 : vector<16xf32>
      %parallel_loop3A_379 = arith.addf %parallel_loop3A_360, %parallel_loop3A_378 : vector<16xf32>
      %parallel_loop3A_380 = arith.mulf %parallel_loop3A_378, %parallel_loop3A_378 : vector<16xf32>
      %parallel_loop3A_381 = arith.addf %parallel_loop3A_362, %parallel_loop3A_380 : vector<16xf32>
      %parallel_loop3A_382 = arith.index_cast %parallel_loop3A_192 : i32 to index
      %parallel_loop3A_383 = arith.constant 112 : index
      %parallel_loop3A_384 = tpu.vector_load %arg13[%parallel_loop3A_382, %parallel_loop3A_383] {strides = array<i32>} : memref<25x128xf32, #tpu.memory_space<vmem>>, vector<16xf32>,
      %parallel_loop3A_385 = arith.index_cast %parallel_loop3A_192 : i32 to index
      %parallel_loop3A_386 = arith.constant 112 : index
      %parallel_loop3A_387 = tpu.vector_load %arg14[%parallel_loop3A_385, %parallel_loop3A_386] {strides = array<i32>} : memref<25x128xf32, #tpu.memory_space<vmem>>, vector<16xf32>,
      %parallel_loop3A_388 = arith.subf %parallel_loop3A_387, %parallel_loop3A_384 : vector<16xf32>
      %parallel_loop3A_389 = arith.mulf %parallel_loop3A_240, %parallel_loop3A_388 : vector<16xf32>
      %parallel_loop3A_390 = arith.addf %parallel_loop3A_384, %parallel_loop3A_389 : vector<16xf32>
      %parallel_loop3A_391 = arith.addf %parallel_loop3A_372, %parallel_loop3A_390 : vector<16xf32>
      %parallel_loop3A_392 = arith.mulf %parallel_loop3A_390, %parallel_loop3A_390 : vector<16xf32>
      %parallel_loop3A_393 = arith.addf %parallel_loop3A_374, %parallel_loop3A_392 : vector<16xf32>
      %parallel_loop3A_394 = arith.index_cast %parallel_loop3A_192 : i32 to index
      %parallel_loop3A_395 = arith.constant 112 : index
      %parallel_loop3A_396 = tpu.vector_load %arg15[%parallel_loop3A_394, %parallel_loop3A_395] {strides = array<i32>} : memref<25x128xf32, #tpu.memory_space<vmem>>, vector<16xf32>,
      %parallel_loop3A_397 = arith.addf %parallel_loop3A_396, %get3A_183 : vector<16xf32>
      %parallel_loop3A_398 = arith.addf %parallel_loop3A_379, %parallel_loop3A_397 : vector<16xf32>
      %parallel_loop3A_399 = arith.mulf %parallel_loop3A_397, %parallel_loop3A_397 : vector<16xf32>
      %parallel_loop3A_400 = arith.addf %parallel_loop3A_381, %parallel_loop3A_399 : vector<16xf32>
      %parallel_loop3A_401 = tpu.iota {dimensions = array<i32: 0>} : vector<16xi32>
      %parallel_loop3A_402 = arith.constant 1 : i32
      %parallel_loop3A_403 = vector.broadcast %parallel_loop3A_402 : i32 to vector<16xi32>
      %parallel_loop3A_404 = arith.xori %parallel_loop3A_401, %parallel_loop3A_403 : vector<16xi32>
      %parallel_loop3A_405 = vector.shape_cast %parallel_loop3A_404 : vector<16xi32> to vector<16x1xi32>
      %parallel_loop3A_406 = vector.shape_cast %parallel_loop3A_405 : vector<16x1xi32> to vector<16xi32>
      %parallel_loop3A_407 = tpu.dynamic_gather %parallel_loop3A_391[%parallel_loop3A_406] in [0] : vector<16xf32>, vector<16xi32> -> vector<16xf32>
      %parallel_loop3A_408 = arith.addf %parallel_loop3A_391, %parallel_loop3A_407 : vector<16xf32>
      %parallel_loop3A_409 = tpu.iota {dimensions = array<i32: 0>} : vector<16xi32>
      %parallel_loop3A_410 = arith.constant 2 : i32
      %parallel_loop3A_411 = vector.broadcast %parallel_loop3A_410 : i32 to vector<16xi32>
      %parallel_loop3A_412 = arith.xori %parallel_loop3A_409, %parallel_loop3A_411 : vector<16xi32>
      %parallel_loop3A_413 = vector.shape_cast %parallel_loop3A_412 : vector<16xi32> to vector<16x1xi32>
      %parallel_loop3A_414 = vector.shape_cast %parallel_loop3A_413 : vector<16x1xi32> to vector<16xi32>
      %parallel_loop3A_415 = tpu.dynamic_gather %parallel_loop3A_408[%parallel_loop3A_414] in [0] : vector<16xf32>, vector<16xi32> -> vector<16xf32>
      %parallel_loop3A_416 = arith.addf %parallel_loop3A_408, %parallel_loop3A_415 : vector<16xf32>
      %parallel_loop3A_417 = tpu.iota {dimensions = array<i32: 0>} : vector<16xi32>
      %parallel_loop3A_418 = arith.constant 4 : i32
      %parallel_loop3A_419 = vector.broadcast %parallel_loop3A_418 : i32 to vector<16xi32>
      %parallel_loop3A_420 = arith.xori %parallel_loop3A_417, %parallel_loop3A_419 : vector<16xi32>
      %parallel_loop3A_421 = vector.shape_cast %parallel_loop3A_420 : vector<16xi32> to vector<16x1xi32>
      %parallel_loop3A_422 = vector.shape_cast %parallel_loop3A_421 : vector<16x1xi32> to vector<16xi32>
      %parallel_loop3A_423 = tpu.dynamic_gather %parallel_loop3A_416[%parallel_loop3A_422] in [0] : vector<16xf32>, vector<16xi32> -> vector<16xf32>
      %parallel_loop3A_424 = arith.addf %parallel_loop3A_416, %parallel_loop3A_423 : vector<16xf32>
      %parallel_loop3A_425 = tpu.iota {dimensions = array<i32: 0>} : vector<16xi32>
      %parallel_loop3A_426 = arith.constant 8 : i32
      %parallel_loop3A_427 = vector.broadcast %parallel_loop3A_426 : i32 to vector<16xi32>
      %parallel_loop3A_428 = arith.xori %parallel_loop3A_425, %parallel_loop3A_427 : vector<16xi32>
      %parallel_loop3A_429 = vector.shape_cast %parallel_loop3A_428 : vector<16xi32> to vector<16x1xi32>
      %parallel_loop3A_430 = vector.shape_cast %parallel_loop3A_429 : vector<16x1xi32> to vector<16xi32>
      %parallel_loop3A_431 = tpu.dynamic_gather %parallel_loop3A_424[%parallel_loop3A_430] in [0] : vector<16xf32>, vector<16xi32> -> vector<16xf32>
      %parallel_loop3A_432 = arith.addf %parallel_loop3A_424, %parallel_loop3A_431 : vector<16xf32>
      %parallel_loop3A_433 = arith.constant 7.812500e-03 : f32
      %parallel_loop3A_434 = vector.broadcast %parallel_loop3A_433 : f32 to vector<16xf32>
      %parallel_loop3A_435 = arith.mulf %parallel_loop3A_432, %parallel_loop3A_434 : vector<16xf32>
      %parallel_loop3A_436 = tpu.iota {dimensions = array<i32: 0>} : vector<16xi32>
      %parallel_loop3A_437 = arith.constant 1 : i32
      %parallel_loop3A_438 = vector.broadcast %parallel_loop3A_437 : i32 to vector<16xi32>
      %parallel_loop3A_439 = arith.xori %parallel_loop3A_436, %parallel_loop3A_438 : vector<16xi32>
      %parallel_loop3A_440 = vector.shape_cast %parallel_loop3A_439 : vector<16xi32> to vector<16x1xi32>
      %parallel_loop3A_441 = vector.shape_cast %parallel_loop3A_440 : vector<16x1xi32> to vector<16xi32>
      %parallel_loop3A_442 = tpu.dynamic_gather %parallel_loop3A_393[%parallel_loop3A_441] in [0] : vector<16xf32>, vector<16xi32> -> vector<16xf32>
      %parallel_loop3A_443 = arith.addf %parallel_loop3A_393, %parallel_loop3A_442 : vector<16xf32>
      %parallel_loop3A_444 = tpu.iota {dimensions = array<i32: 0>} : vector<16xi32>
      %parallel_loop3A_445 = arith.constant 2 : i32
      %parallel_loop3A_446 = vector.broadcast %parallel_loop3A_445 : i32 to vector<16xi32>
      %parallel_loop3A_447 = arith.xori %parallel_loop3A_444, %parallel_loop3A_446 : vector<16xi32>
      %parallel_loop3A_448 = vector.shape_cast %parallel_loop3A_447 : vector<16xi32> to vector<16x1xi32>
      %parallel_loop3A_449 = vector.shape_cast %parallel_loop3A_448 : vector<16x1xi32> to vector<16xi32>
      %parallel_loop3A_450 = tpu.dynamic_gather %parallel_loop3A_443[%parallel_loop3A_449] in [0] : vector<16xf32>, vector<16xi32> -> vector<16xf32>
      %parallel_loop3A_451 = arith.addf %parallel_loop3A_443, %parallel_loop3A_450 : vector<16xf32>
      %parallel_loop3A_452 = tpu.iota {dimensions = array<i32: 0>} : vector<16xi32>
      %parallel_loop3A_453 = arith.constant 4 : i32
      %parallel_loop3A_454 = vector.broadcast %parallel_loop3A_453 : i32 to vector<16xi32>
      %parallel_loop3A_455 = arith.xori %parallel_loop3A_452, %parallel_loop3A_454 : vector<16xi32>
      %parallel_loop3A_456 = vector.shape_cast %parallel_loop3A_455 : vector<16xi32> to vector<16x1xi32>
      %parallel_loop3A_457 = vector.shape_cast %parallel_loop3A_456 : vector<16x1xi32> to vector<16xi32>
      %parallel_loop3A_458 = tpu.dynamic_gather %parallel_loop3A_451[%parallel_loop3A_457] in [0] : vector<16xf32>, vector<16xi32> -> vector<16xf32>
      %parallel_loop3A_459 = arith.addf %parallel_loop3A_451, %parallel_loop3A_458 : vector<16xf32>
      %parallel_loop3A_460 = tpu.iota {dimensions = array<i32: 0>} : vector<16xi32>
      %parallel_loop3A_461 = arith.constant 8 : i32
      %parallel_loop3A_462 = vector.broadcast %parallel_loop3A_461 : i32 to vector<16xi32>
      %parallel_loop3A_463 = arith.xori %parallel_loop3A_460, %parallel_loop3A_462 : vector<16xi32>
      %parallel_loop3A_464 = vector.shape_cast %parallel_loop3A_463 : vector<16xi32> to vector<16x1xi32>
      %parallel_loop3A_465 = vector.shape_cast %parallel_loop3A_464 : vector<16x1xi32> to vector<16xi32>
      %parallel_loop3A_466 = tpu.dynamic_gather %parallel_loop3A_459[%parallel_loop3A_465] in [0] : vector<16xf32>, vector<16xi32> -> vector<16xf32>
      %parallel_loop3A_467 = arith.addf %parallel_loop3A_459, %parallel_loop3A_466 : vector<16xf32>
      %parallel_loop3A_468 = arith.constant 7.812500e-03 : f32
      %parallel_loop3A_469 = vector.broadcast %parallel_loop3A_468 : f32 to vector<16xf32>
      %parallel_loop3A_470 = arith.mulf %parallel_loop3A_467, %parallel_loop3A_469 : vector<16xf32>
      %parallel_loop3A_471 = arith.mulf %parallel_loop3A_435, %parallel_loop3A_435 : vector<16xf32>
      %parallel_loop3A_472 = arith.subf %parallel_loop3A_470, %parallel_loop3A_471 : vector<16xf32>
      %parallel_loop3A_473 = arith.constant 9.99999974E-6 : f32
      %parallel_loop3A_474 = vector.broadcast %parallel_loop3A_473 : f32 to vector<16xf32>
      %parallel_loop3A_475 = arith.addf %parallel_loop3A_472, %parallel_loop3A_474 : vector<16xf32>
      %parallel_loop3A_476 = tpu.bitcast %parallel_loop3A_475 : vector<16xf32> -> vector<16xi32>
      %parallel_loop3A_477 = arith.constant 1 : i32
      %parallel_loop3A_478 = vector.broadcast %parallel_loop3A_477 : i32 to vector<16xi32>
      %parallel_loop3A_479 = arith.shrsi %parallel_loop3A_476, %parallel_loop3A_478 : vector<16xi32>
      %parallel_loop3A_480 = arith.constant 1597463007 : i32
      %parallel_loop3A_481 = vector.broadcast %parallel_loop3A_480 : i32 to vector<16xi32>
      %parallel_loop3A_482 = arith.subi %parallel_loop3A_481, %parallel_loop3A_479 : vector<16xi32>
      %parallel_loop3A_483 = tpu.bitcast %parallel_loop3A_482 : vector<16xi32> -> vector<16xf32>
      %parallel_loop3A_484 = arith.constant 5.000000e-01 : f32
      %parallel_loop3A_485 = vector.broadcast %parallel_loop3A_484 : f32 to vector<16xf32>
      %parallel_loop3A_486 = arith.mulf %parallel_loop3A_485, %parallel_loop3A_475 : vector<16xf32>
      %parallel_loop3A_487 = arith.mulf %parallel_loop3A_486, %parallel_loop3A_483 : vector<16xf32>
      %parallel_loop3A_488 = arith.mulf %parallel_loop3A_487, %parallel_loop3A_483 : vector<16xf32>
      %parallel_loop3A_489 = arith.constant 1.500000e+00 : f32
      %parallel_loop3A_490 = vector.broadcast %parallel_loop3A_489 : f32 to vector<16xf32>
      %parallel_loop3A_491 = arith.subf %parallel_loop3A_490, %parallel_loop3A_488 : vector<16xf32>
      %parallel_loop3A_492 = arith.mulf %parallel_loop3A_483, %parallel_loop3A_491 : vector<16xf32>
      %parallel_loop3A_493 = arith.constant 5.000000e-01 : f32
      %parallel_loop3A_494 = vector.broadcast %parallel_loop3A_493 : f32 to vector<16xf32>
      %parallel_loop3A_495 = arith.mulf %parallel_loop3A_494, %parallel_loop3A_475 : vector<16xf32>
      %parallel_loop3A_496 = arith.mulf %parallel_loop3A_495, %parallel_loop3A_492 : vector<16xf32>
      %parallel_loop3A_497 = arith.mulf %parallel_loop3A_496, %parallel_loop3A_492 : vector<16xf32>
      %parallel_loop3A_498 = arith.constant 1.500000e+00 : f32
      %parallel_loop3A_499 = vector.broadcast %parallel_loop3A_498 : f32 to vector<16xf32>
      %parallel_loop3A_500 = arith.subf %parallel_loop3A_499, %parallel_loop3A_497 : vector<16xf32>
      %parallel_loop3A_501 = arith.mulf %parallel_loop3A_492, %parallel_loop3A_500 : vector<16xf32>
      %parallel_loop3A_502 = arith.constant 5.000000e-01 : f32
      %parallel_loop3A_503 = vector.broadcast %parallel_loop3A_502 : f32 to vector<16xf32>
      %parallel_loop3A_504 = arith.mulf %parallel_loop3A_503, %parallel_loop3A_475 : vector<16xf32>
      %parallel_loop3A_505 = arith.mulf %parallel_loop3A_504, %parallel_loop3A_501 : vector<16xf32>
      %parallel_loop3A_506 = arith.mulf %parallel_loop3A_505, %parallel_loop3A_501 : vector<16xf32>
      %parallel_loop3A_507 = arith.constant 1.500000e+00 : f32
      %parallel_loop3A_508 = vector.broadcast %parallel_loop3A_507 : f32 to vector<16xf32>
      %parallel_loop3A_509 = arith.subf %parallel_loop3A_508, %parallel_loop3A_506 : vector<16xf32>
      %parallel_loop3A_510 = arith.mulf %parallel_loop3A_501, %parallel_loop3A_509 : vector<16xf32>
      %parallel_loop3A_511 = tpu.iota {dimensions = array<i32: 0>} : vector<16xi32>
      %parallel_loop3A_512 = arith.constant 1 : i32
      %parallel_loop3A_513 = vector.broadcast %parallel_loop3A_512 : i32 to vector<16xi32>
      %parallel_loop3A_514 = arith.xori %parallel_loop3A_511, %parallel_loop3A_513 : vector<16xi32>
      %parallel_loop3A_515 = vector.shape_cast %parallel_loop3A_514 : vector<16xi32> to vector<16x1xi32>
      %parallel_loop3A_516 = vector.shape_cast %parallel_loop3A_515 : vector<16x1xi32> to vector<16xi32>
      %parallel_loop3A_517 = tpu.dynamic_gather %parallel_loop3A_398[%parallel_loop3A_516] in [0] : vector<16xf32>, vector<16xi32> -> vector<16xf32>
      %parallel_loop3A_518 = arith.addf %parallel_loop3A_398, %parallel_loop3A_517 : vector<16xf32>
      %parallel_loop3A_519 = tpu.iota {dimensions = array<i32: 0>} : vector<16xi32>
      %parallel_loop3A_520 = arith.constant 2 : i32
      %parallel_loop3A_521 = vector.broadcast %parallel_loop3A_520 : i32 to vector<16xi32>
      %parallel_loop3A_522 = arith.xori %parallel_loop3A_519, %parallel_loop3A_521 : vector<16xi32>
      %parallel_loop3A_523 = vector.shape_cast %parallel_loop3A_522 : vector<16xi32> to vector<16x1xi32>
      %parallel_loop3A_524 = vector.shape_cast %parallel_loop3A_523 : vector<16x1xi32> to vector<16xi32>
      %parallel_loop3A_525 = tpu.dynamic_gather %parallel_loop3A_518[%parallel_loop3A_524] in [0] : vector<16xf32>, vector<16xi32> -> vector<16xf32>
      %parallel_loop3A_526 = arith.addf %parallel_loop3A_518, %parallel_loop3A_525 : vector<16xf32>
      %parallel_loop3A_527 = tpu.iota {dimensions = array<i32: 0>} : vector<16xi32>
      %parallel_loop3A_528 = arith.constant 4 : i32
      %parallel_loop3A_529 = vector.broadcast %parallel_loop3A_528 : i32 to vector<16xi32>
      %parallel_loop3A_530 = arith.xori %parallel_loop3A_527, %parallel_loop3A_529 : vector<16xi32>
      %parallel_loop3A_531 = vector.shape_cast %parallel_loop3A_530 : vector<16xi32> to vector<16x1xi32>
      %parallel_loop3A_532 = vector.shape_cast %parallel_loop3A_531 : vector<16x1xi32> to vector<16xi32>
      %parallel_loop3A_533 = tpu.dynamic_gather %parallel_loop3A_526[%parallel_loop3A_532] in [0] : vector<16xf32>, vector<16xi32> -> vector<16xf32>
      %parallel_loop3A_534 = arith.addf %parallel_loop3A_526, %parallel_loop3A_533 : vector<16xf32>
      %parallel_loop3A_535 = tpu.iota {dimensions = array<i32: 0>} : vector<16xi32>
      %parallel_loop3A_536 = arith.constant 8 : i32
      %parallel_loop3A_537 = vector.broadcast %parallel_loop3A_536 : i32 to vector<16xi32>
      %parallel_loop3A_538 = arith.xori %parallel_loop3A_535, %parallel_loop3A_537 : vector<16xi32>
      %parallel_loop3A_539 = vector.shape_cast %parallel_loop3A_538 : vector<16xi32> to vector<16x1xi32>
      %parallel_loop3A_540 = vector.shape_cast %parallel_loop3A_539 : vector<16x1xi32> to vector<16xi32>
      %parallel_loop3A_541 = tpu.dynamic_gather %parallel_loop3A_534[%parallel_loop3A_540] in [0] : vector<16xf32>, vector<16xi32> -> vector<16xf32>
      %parallel_loop3A_542 = arith.addf %parallel_loop3A_534, %parallel_loop3A_541 : vector<16xf32>
      %parallel_loop3A_543 = arith.constant 7.812500e-03 : f32
      %parallel_loop3A_544 = vector.broadcast %parallel_loop3A_543 : f32 to vector<16xf32>
      %parallel_loop3A_545 = arith.mulf %parallel_loop3A_542, %parallel_loop3A_544 : vector<16xf32>
      %parallel_loop3A_546 = tpu.iota {dimensions = array<i32: 0>} : vector<16xi32>
      %parallel_loop3A_547 = arith.constant 1 : i32
      %parallel_loop3A_548 = vector.broadcast %parallel_loop3A_547 : i32 to vector<16xi32>
      %parallel_loop3A_549 = arith.xori %parallel_loop3A_546, %parallel_loop3A_548 : vector<16xi32>
      %parallel_loop3A_550 = vector.shape_cast %parallel_loop3A_549 : vector<16xi32> to vector<16x1xi32>
      %parallel_loop3A_551 = vector.shape_cast %parallel_loop3A_550 : vector<16x1xi32> to vector<16xi32>
      %parallel_loop3A_552 = tpu.dynamic_gather %parallel_loop3A_400[%parallel_loop3A_551] in [0] : vector<16xf32>, vector<16xi32> -> vector<16xf32>
      %parallel_loop3A_553 = arith.addf %parallel_loop3A_400, %parallel_loop3A_552 : vector<16xf32>
      %parallel_loop3A_554 = tpu.iota {dimensions = array<i32: 0>} : vector<16xi32>
      %parallel_loop3A_555 = arith.constant 2 : i32
      %parallel_loop3A_556 = vector.broadcast %parallel_loop3A_555 : i32 to vector<16xi32>
      %parallel_loop3A_557 = arith.xori %parallel_loop3A_554, %parallel_loop3A_556 : vector<16xi32>
      %parallel_loop3A_558 = vector.shape_cast %parallel_loop3A_557 : vector<16xi32> to vector<16x1xi32>
      %parallel_loop3A_559 = vector.shape_cast %parallel_loop3A_558 : vector<16x1xi32> to vector<16xi32>
      %parallel_loop3A_560 = tpu.dynamic_gather %parallel_loop3A_553[%parallel_loop3A_559] in [0] : vector<16xf32>, vector<16xi32> -> vector<16xf32>
      %parallel_loop3A_561 = arith.addf %parallel_loop3A_553, %parallel_loop3A_560 : vector<16xf32>
      %parallel_loop3A_562 = tpu.iota {dimensions = array<i32: 0>} : vector<16xi32>
      %parallel_loop3A_563 = arith.constant 4 : i32
      %parallel_loop3A_564 = vector.broadcast %parallel_loop3A_563 : i32 to vector<16xi32>
      %parallel_loop3A_565 = arith.xori %parallel_loop3A_562, %parallel_loop3A_564 : vector<16xi32>
      %parallel_loop3A_566 = vector.shape_cast %parallel_loop3A_565 : vector<16xi32> to vector<16x1xi32>
      %parallel_loop3A_567 = vector.shape_cast %parallel_loop3A_566 : vector<16x1xi32> to vector<16xi32>
      %parallel_loop3A_568 = tpu.dynamic_gather %parallel_loop3A_561[%parallel_loop3A_567] in [0] : vector<16xf32>, vector<16xi32> -> vector<16xf32>
      %parallel_loop3A_569 = arith.addf %parallel_loop3A_561, %parallel_loop3A_568 : vector<16xf32>
      %parallel_loop3A_570 = tpu.iota {dimensions = array<i32: 0>} : vector<16xi32>
      %parallel_loop3A_571 = arith.constant 8 : i32
      %parallel_loop3A_572 = vector.broadcast %parallel_loop3A_571 : i32 to vector<16xi32>
      %parallel_loop3A_573 = arith.xori %parallel_loop3A_570, %parallel_loop3A_572 : vector<16xi32>
      %parallel_loop3A_574 = vector.shape_cast %parallel_loop3A_573 : vector<16xi32> to vector<16x1xi32>
      %parallel_loop3A_575 = vector.shape_cast %parallel_loop3A_574 : vector<16x1xi32> to vector<16xi32>
      %parallel_loop3A_576 = tpu.dynamic_gather %parallel_loop3A_569[%parallel_loop3A_575] in [0] : vector<16xf32>, vector<16xi32> -> vector<16xf32>
      %parallel_loop3A_577 = arith.addf %parallel_loop3A_569, %parallel_loop3A_576 : vector<16xf32>
      %parallel_loop3A_578 = arith.constant 7.812500e-03 : f32
      %parallel_loop3A_579 = vector.broadcast %parallel_loop3A_578 : f32 to vector<16xf32>
      %parallel_loop3A_580 = arith.mulf %parallel_loop3A_577, %parallel_loop3A_579 : vector<16xf32>
      %parallel_loop3A_581 = arith.mulf %parallel_loop3A_545, %parallel_loop3A_545 : vector<16xf32>
      %parallel_loop3A_582 = arith.subf %parallel_loop3A_580, %parallel_loop3A_581 : vector<16xf32>
      %parallel_loop3A_583 = arith.constant 9.99999974E-6 : f32
      %parallel_loop3A_584 = vector.broadcast %parallel_loop3A_583 : f32 to vector<16xf32>
      %parallel_loop3A_585 = arith.addf %parallel_loop3A_582, %parallel_loop3A_584 : vector<16xf32>
      %parallel_loop3A_586 = tpu.bitcast %parallel_loop3A_585 : vector<16xf32> -> vector<16xi32>
      %parallel_loop3A_587 = arith.constant 1 : i32
      %parallel_loop3A_588 = vector.broadcast %parallel_loop3A_587 : i32 to vector<16xi32>
      %parallel_loop3A_589 = arith.shrsi %parallel_loop3A_586, %parallel_loop3A_588 : vector<16xi32>
      %parallel_loop3A_590 = arith.constant 1597463007 : i32
      %parallel_loop3A_591 = vector.broadcast %parallel_loop3A_590 : i32 to vector<16xi32>
      %parallel_loop3A_592 = arith.subi %parallel_loop3A_591, %parallel_loop3A_589 : vector<16xi32>
      %parallel_loop3A_593 = tpu.bitcast %parallel_loop3A_592 : vector<16xi32> -> vector<16xf32>
      %parallel_loop3A_594 = arith.constant 5.000000e-01 : f32
      %parallel_loop3A_595 = vector.broadcast %parallel_loop3A_594 : f32 to vector<16xf32>
      %parallel_loop3A_596 = arith.mulf %parallel_loop3A_595, %parallel_loop3A_585 : vector<16xf32>
      %parallel_loop3A_597 = arith.mulf %parallel_loop3A_596, %parallel_loop3A_593 : vector<16xf32>
      %parallel_loop3A_598 = arith.mulf %parallel_loop3A_597, %parallel_loop3A_593 : vector<16xf32>
      %parallel_loop3A_599 = arith.constant 1.500000e+00 : f32
      %parallel_loop3A_600 = vector.broadcast %parallel_loop3A_599 : f32 to vector<16xf32>
      %parallel_loop3A_601 = arith.subf %parallel_loop3A_600, %parallel_loop3A_598 : vector<16xf32>
      %parallel_loop3A_602 = arith.mulf %parallel_loop3A_593, %parallel_loop3A_601 : vector<16xf32>
      %parallel_loop3A_603 = arith.constant 5.000000e-01 : f32
      %parallel_loop3A_604 = vector.broadcast %parallel_loop3A_603 : f32 to vector<16xf32>
      %parallel_loop3A_605 = arith.mulf %parallel_loop3A_604, %parallel_loop3A_585 : vector<16xf32>
      %parallel_loop3A_606 = arith.mulf %parallel_loop3A_605, %parallel_loop3A_602 : vector<16xf32>
      %parallel_loop3A_607 = arith.mulf %parallel_loop3A_606, %parallel_loop3A_602 : vector<16xf32>
      %parallel_loop3A_608 = arith.constant 1.500000e+00 : f32
      %parallel_loop3A_609 = vector.broadcast %parallel_loop3A_608 : f32 to vector<16xf32>
      %parallel_loop3A_610 = arith.subf %parallel_loop3A_609, %parallel_loop3A_607 : vector<16xf32>
      %parallel_loop3A_611 = arith.mulf %parallel_loop3A_602, %parallel_loop3A_610 : vector<16xf32>
      %parallel_loop3A_612 = arith.constant 5.000000e-01 : f32
      %parallel_loop3A_613 = vector.broadcast %parallel_loop3A_612 : f32 to vector<16xf32>
      %parallel_loop3A_614 = arith.mulf %parallel_loop3A_613, %parallel_loop3A_585 : vector<16xf32>
      %parallel_loop3A_615 = arith.mulf %parallel_loop3A_614, %parallel_loop3A_611 : vector<16xf32>
      %parallel_loop3A_616 = arith.mulf %parallel_loop3A_615, %parallel_loop3A_611 : vector<16xf32>
      %parallel_loop3A_617 = arith.constant 1.500000e+00 : f32
      %parallel_loop3A_618 = vector.broadcast %parallel_loop3A_617 : f32 to vector<16xf32>
      %parallel_loop3A_619 = arith.subf %parallel_loop3A_618, %parallel_loop3A_616 : vector<16xf32>
      %parallel_loop3A_620 = arith.mulf %parallel_loop3A_611, %parallel_loop3A_619 : vector<16xf32>
      %parallel_loop3A_621 = arith.constant 0 : i32
      %parallel_loop3A_622 = arith.index_cast %parallel_loop3A_621 : i32 to index
      %parallel_loop3A_623 = arith.constant 0 : index
      %parallel_loop3A_624 = tpu.vector_load %arg16[%parallel_loop3A_622, %parallel_loop3A_623] {strides = array<i32>} : memref<8x128xf32, #tpu.memory_space<vmem>>, vector<16xf32>,
      %parallel_loop3A_625 = arith.constant 2 : i32
      %parallel_loop3A_626 = arith.index_cast %parallel_loop3A_625 : i32 to index
      %parallel_loop3A_627 = arith.constant 0 : index
      %parallel_loop3A_628 = tpu.vector_load %arg16[%parallel_loop3A_626, %parallel_loop3A_627] {strides = array<i32>} : memref<8x128xf32, #tpu.memory_space<vmem>>, vector<16xf32>,
      %parallel_loop3A_629 = arith.mulf %parallel_loop3A_240, %parallel_loop3A_628 : vector<16xf32>
      %parallel_loop3A_630 = arith.addf %parallel_loop3A_624, %parallel_loop3A_629 : vector<16xf32>
      %parallel_loop3A_631 = arith.constant 1 : i32
      %parallel_loop3A_632 = arith.index_cast %parallel_loop3A_631 : i32 to index
      %parallel_loop3A_633 = arith.constant 0 : index
      %parallel_loop3A_634 = tpu.vector_load %arg16[%parallel_loop3A_632, %parallel_loop3A_633] {strides = array<i32>} : memref<8x128xf32, #tpu.memory_space<vmem>>, vector<16xf32>,
      %parallel_loop3A_635 = arith.constant 3 : i32
      %parallel_loop3A_636 = arith.index_cast %parallel_loop3A_635 : i32 to index
      %parallel_loop3A_637 = arith.constant 0 : index
      %parallel_loop3A_638 = tpu.vector_load %arg16[%parallel_loop3A_636, %parallel_loop3A_637] {strides = array<i32>} : memref<8x128xf32, #tpu.memory_space<vmem>>, vector<16xf32>,
      %parallel_loop3A_639 = arith.mulf %parallel_loop3A_240, %parallel_loop3A_638 : vector<16xf32>
      %parallel_loop3A_640 = arith.addf %parallel_loop3A_634, %parallel_loop3A_639 : vector<16xf32>
      %parallel_loop3A_641 = arith.subf %parallel_loop3A_257, %parallel_loop3A_435 : vector<16xf32>
      %parallel_loop3A_642 = arith.mulf %parallel_loop3A_641, %parallel_loop3A_510 : vector<16xf32>
      %parallel_loop3A_643 = arith.mulf %parallel_loop3A_642, %parallel_loop3A_630 : vector<16xf32>
      %parallel_loop3A_644 = arith.addf %parallel_loop3A_643, %parallel_loop3A_640 : vector<16xf32>
      %parallel_loop3A_645 = arith.subf %parallel_loop3A_264, %parallel_loop3A_545 : vector<16xf32>
      %parallel_loop3A_646 = arith.mulf %parallel_loop3A_645, %parallel_loop3A_620 : vector<16xf32>
      %parallel_loop3A_647 = arith.constant 4 : i32
      %parallel_loop3A_648 = arith.index_cast %parallel_loop3A_647 : i32 to index
      %parallel_loop3A_649 = arith.constant 0 : index
      %parallel_loop3A_650 = tpu.vector_load %arg16[%parallel_loop3A_648, %parallel_loop3A_649] {strides = array<i32>} : memref<8x128xf32, #tpu.memory_space<vmem>>, vector<16xf32>,
      %parallel_loop3A_651 = arith.mulf %parallel_loop3A_646, %parallel_loop3A_650 : vector<16xf32>
      %parallel_loop3A_652 = arith.constant 5 : i32
      %parallel_loop3A_653 = arith.index_cast %parallel_loop3A_652 : i32 to index
      %parallel_loop3A_654 = arith.constant 0 : index
      %parallel_loop3A_655 = tpu.vector_load %arg16[%parallel_loop3A_653, %parallel_loop3A_654] {strides = array<i32>} : memref<8x128xf32, #tpu.memory_space<vmem>>, vector<16xf32>,
      %parallel_loop3A_656 = arith.addf %parallel_loop3A_651, %parallel_loop3A_655 : vector<16xf32>
      %parallel_loop3A_657 = arith.addf %parallel_loop3A_644, %parallel_loop3A_656 : vector<16xf32>
      %parallel_loop3A_658 = arith.index_cast %parallel_loop3A_192 : i32 to index
      %parallel_loop3A_659 = arith.constant 0 : index
      %parallel_loop3A_660 = tpu.vector_load %arg17[%parallel_loop3A_658, %parallel_loop3A_659] {strides = array<i32>} : memref<25x128xf32, #tpu.memory_space<vmem>>, vector<16xf32>,
      tpu.vector_store %arg17[%parallel_loop3A_658, %parallel_loop3A_659], %parallel_loop3A_657 {strides = array<i32>} : memref<25x128xf32, #tpu.memory_space<vmem>>, vector<16xf32>,
      %parallel_loop3A_661 = arith.constant 0 : i32
      %parallel_loop3A_662 = arith.index_cast %parallel_loop3A_661 : i32 to index
      %parallel_loop3A_663 = arith.constant 16 : index
      %parallel_loop3A_664 = tpu.vector_load %arg16[%parallel_loop3A_662, %parallel_loop3A_663] {strides = array<i32>} : memref<8x128xf32, #tpu.memory_space<vmem>>, vector<16xf32>,
      %parallel_loop3A_665 = arith.constant 2 : i32
      %parallel_loop3A_666 = arith.index_cast %parallel_loop3A_665 : i32 to index
      %parallel_loop3A_667 = arith.constant 16 : index
      %parallel_loop3A_668 = tpu.vector_load %arg16[%parallel_loop3A_666, %parallel_loop3A_667] {strides = array<i32>} : memref<8x128xf32, #tpu.memory_space<vmem>>, vector<16xf32>,
      %parallel_loop3A_669 = arith.mulf %parallel_loop3A_240, %parallel_loop3A_668 : vector<16xf32>
      %parallel_loop3A_670 = arith.addf %parallel_loop3A_664, %parallel_loop3A_669 : vector<16xf32>
      %parallel_loop3A_671 = arith.constant 1 : i32
      %parallel_loop3A_672 = arith.index_cast %parallel_loop3A_671 : i32 to index
      %parallel_loop3A_673 = arith.constant 16 : index
      %parallel_loop3A_674 = tpu.vector_load %arg16[%parallel_loop3A_672, %parallel_loop3A_673] {strides = array<i32>} : memref<8x128xf32, #tpu.memory_space<vmem>>, vector<16xf32>,
      %parallel_loop3A_675 = arith.constant 3 : i32
      %parallel_loop3A_676 = arith.index_cast %parallel_loop3A_675 : i32 to index
      %parallel_loop3A_677 = arith.constant 16 : index
      %parallel_loop3A_678 = tpu.vector_load %arg16[%parallel_loop3A_676, %parallel_loop3A_677] {strides = array<i32>} : memref<8x128xf32, #tpu.memory_space<vmem>>, vector<16xf32>,
      %parallel_loop3A_679 = arith.mulf %parallel_loop3A_240, %parallel_loop3A_678 : vector<16xf32>
      %parallel_loop3A_680 = arith.addf %parallel_loop3A_674, %parallel_loop3A_679 : vector<16xf32>
      %parallel_loop3A_681 = arith.subf %parallel_loop3A_276, %parallel_loop3A_435 : vector<16xf32>
      %parallel_loop3A_682 = arith.mulf %parallel_loop3A_681, %parallel_loop3A_510 : vector<16xf32>
      %parallel_loop3A_683 = arith.mulf %parallel_loop3A_682, %parallel_loop3A_670 : vector<16xf32>
      %parallel_loop3A_684 = arith.addf %parallel_loop3A_683, %parallel_loop3A_680 : vector<16xf32>
      %parallel_loop3A_685 = arith.subf %parallel_loop3A_283, %parallel_loop3A_545 : vector<16xf32>
      %parallel_loop3A_686 = arith.mulf %parallel_loop3A_685, %parallel_loop3A_620 : vector<16xf32>
      %parallel_loop3A_687 = arith.constant 4 : i32
      %parallel_loop3A_688 = arith.index_cast %parallel_loop3A_687 : i32 to index
      %parallel_loop3A_689 = arith.constant 16 : index
      %parallel_loop3A_690 = tpu.vector_load %arg16[%parallel_loop3A_688, %parallel_loop3A_689] {strides = array<i32>} : memref<8x128xf32, #tpu.memory_space<vmem>>, vector<16xf32>,
      %parallel_loop3A_691 = arith.mulf %parallel_loop3A_686, %parallel_loop3A_690 : vector<16xf32>
      %parallel_loop3A_692 = arith.constant 5 : i32
      %parallel_loop3A_693 = arith.index_cast %parallel_loop3A_692 : i32 to index
      %parallel_loop3A_694 = arith.constant 16 : index
      %parallel_loop3A_695 = tpu.vector_load %arg16[%parallel_loop3A_693, %parallel_loop3A_694] {strides = array<i32>} : memref<8x128xf32, #tpu.memory_space<vmem>>, vector<16xf32>,
      %parallel_loop3A_696 = arith.addf %parallel_loop3A_691, %parallel_loop3A_695 : vector<16xf32>
      %parallel_loop3A_697 = arith.addf %parallel_loop3A_684, %parallel_loop3A_696 : vector<16xf32>
      %parallel_loop3A_698 = arith.index_cast %parallel_loop3A_192 : i32 to index
      %parallel_loop3A_699 = arith.constant 16 : index
      %parallel_loop3A_700 = tpu.vector_load %arg17[%parallel_loop3A_698, %parallel_loop3A_699] {strides = array<i32>} : memref<25x128xf32, #tpu.memory_space<vmem>>, vector<16xf32>,
      tpu.vector_store %arg17[%parallel_loop3A_698, %parallel_loop3A_699], %parallel_loop3A_697 {strides = array<i32>} : memref<25x128xf32, #tpu.memory_space<vmem>>, vector<16xf32>,
      %parallel_loop3A_701 = arith.constant 0 : i32
      %parallel_loop3A_702 = arith.index_cast %parallel_loop3A_701 : i32 to index
      %parallel_loop3A_703 = arith.constant 32 : index
      %parallel_loop3A_704 = tpu.vector_load %arg16[%parallel_loop3A_702, %parallel_loop3A_703] {strides = array<i32>} : memref<8x128xf32, #tpu.memory_space<vmem>>, vector<16xf32>,
      %parallel_loop3A_705 = arith.constant 2 : i32
      %parallel_loop3A_706 = arith.index_cast %parallel_loop3A_705 : i32 to index
      %parallel_loop3A_707 = arith.constant 32 : index
      %parallel_loop3A_708 = tpu.vector_load %arg16[%parallel_loop3A_706, %parallel_loop3A_707] {strides = array<i32>} : memref<8x128xf32, #tpu.memory_space<vmem>>, vector<16xf32>,
      %parallel_loop3A_709 = arith.mulf %parallel_loop3A_240, %parallel_loop3A_708 : vector<16xf32>
      %parallel_loop3A_710 = arith.addf %parallel_loop3A_704, %parallel_loop3A_709 : vector<16xf32>
      %parallel_loop3A_711 = arith.constant 1 : i32
      %parallel_loop3A_712 = arith.index_cast %parallel_loop3A_711 : i32 to index
      %parallel_loop3A_713 = arith.constant 32 : index
      %parallel_loop3A_714 = tpu.vector_load %arg16[%parallel_loop3A_712, %parallel_loop3A_713] {strides = array<i32>} : memref<8x128xf32, #tpu.memory_space<vmem>>, vector<16xf32>,
      %parallel_loop3A_715 = arith.constant 3 : i32
      %parallel_loop3A_716 = arith.index_cast %parallel_loop3A_715 : i32 to index
      %parallel_loop3A_717 = arith.constant 32 : index
      %parallel_loop3A_718 = tpu.vector_load %arg16[%parallel_loop3A_716, %parallel_loop3A_717] {strides = array<i32>} : memref<8x128xf32, #tpu.memory_space<vmem>>, vector<16xf32>,
      %parallel_loop3A_719 = arith.mulf %parallel_loop3A_240, %parallel_loop3A_718 : vector<16xf32>
      %parallel_loop3A_720 = arith.addf %parallel_loop3A_714, %parallel_loop3A_719 : vector<16xf32>
      %parallel_loop3A_721 = arith.subf %parallel_loop3A_295, %parallel_loop3A_435 : vector<16xf32>
      %parallel_loop3A_722 = arith.mulf %parallel_loop3A_721, %parallel_loop3A_510 : vector<16xf32>
      %parallel_loop3A_723 = arith.mulf %parallel_loop3A_722, %parallel_loop3A_710 : vector<16xf32>
      %parallel_loop3A_724 = arith.addf %parallel_loop3A_723, %parallel_loop3A_720 : vector<16xf32>
      %parallel_loop3A_725 = arith.subf %parallel_loop3A_302, %parallel_loop3A_545 : vector<16xf32>
      %parallel_loop3A_726 = arith.mulf %parallel_loop3A_725, %parallel_loop3A_620 : vector<16xf32>
      %parallel_loop3A_727 = arith.constant 4 : i32
      %parallel_loop3A_728 = arith.index_cast %parallel_loop3A_727 : i32 to index
      %parallel_loop3A_729 = arith.constant 32 : index
      %parallel_loop3A_730 = tpu.vector_load %arg16[%parallel_loop3A_728, %parallel_loop3A_729] {strides = array<i32>} : memref<8x128xf32, #tpu.memory_space<vmem>>, vector<16xf32>,
      %parallel_loop3A_731 = arith.mulf %parallel_loop3A_726, %parallel_loop3A_730 : vector<16xf32>
      %parallel_loop3A_732 = arith.constant 5 : i32
      %parallel_loop3A_733 = arith.index_cast %parallel_loop3A_732 : i32 to index
      %parallel_loop3A_734 = arith.constant 32 : index
      %parallel_loop3A_735 = tpu.vector_load %arg16[%parallel_loop3A_733, %parallel_loop3A_734] {strides = array<i32>} : memref<8x128xf32, #tpu.memory_space<vmem>>, vector<16xf32>,
      %parallel_loop3A_736 = arith.addf %parallel_loop3A_731, %parallel_loop3A_735 : vector<16xf32>
      %parallel_loop3A_737 = arith.addf %parallel_loop3A_724, %parallel_loop3A_736 : vector<16xf32>
      %parallel_loop3A_738 = arith.index_cast %parallel_loop3A_192 : i32 to index
      %parallel_loop3A_739 = arith.constant 32 : index
      %parallel_loop3A_740 = tpu.vector_load %arg17[%parallel_loop3A_738, %parallel_loop3A_739] {strides = array<i32>} : memref<25x128xf32, #tpu.memory_space<vmem>>, vector<16xf32>,
      tpu.vector_store %arg17[%parallel_loop3A_738, %parallel_loop3A_739], %parallel_loop3A_737 {strides = array<i32>} : memref<25x128xf32, #tpu.memory_space<vmem>>, vector<16xf32>,
      %parallel_loop3A_741 = arith.constant 0 : i32
      %parallel_loop3A_742 = arith.index_cast %parallel_loop3A_741 : i32 to index
      %parallel_loop3A_743 = arith.constant 48 : index
      %parallel_loop3A_744 = tpu.vector_load %arg16[%parallel_loop3A_742, %parallel_loop3A_743] {strides = array<i32>} : memref<8x128xf32, #tpu.memory_space<vmem>>, vector<16xf32>,
      %parallel_loop3A_745 = arith.constant 2 : i32
      %parallel_loop3A_746 = arith.index_cast %parallel_loop3A_745 : i32 to index
      %parallel_loop3A_747 = arith.constant 48 : index
      %parallel_loop3A_748 = tpu.vector_load %arg16[%parallel_loop3A_746, %parallel_loop3A_747] {strides = array<i32>} : memref<8x128xf32, #tpu.memory_space<vmem>>, vector<16xf32>,
      %parallel_loop3A_749 = arith.mulf %parallel_loop3A_240, %parallel_loop3A_748 : vector<16xf32>
      %parallel_loop3A_750 = arith.addf %parallel_loop3A_744, %parallel_loop3A_749 : vector<16xf32>
      %parallel_loop3A_751 = arith.constant 1 : i32
      %parallel_loop3A_752 = arith.index_cast %parallel_loop3A_751 : i32 to index
      %parallel_loop3A_753 = arith.constant 48 : index
      %parallel_loop3A_754 = tpu.vector_load %arg16[%parallel_loop3A_752, %parallel_loop3A_753] {strides = array<i32>} : memref<8x128xf32, #tpu.memory_space<vmem>>, vector<16xf32>,
      %parallel_loop3A_755 = arith.constant 3 : i32
      %parallel_loop3A_756 = arith.index_cast %parallel_loop3A_755 : i32 to index
      %parallel_loop3A_757 = arith.constant 48 : index
      %parallel_loop3A_758 = tpu.vector_load %arg16[%parallel_loop3A_756, %parallel_loop3A_757] {strides = array<i32>} : memref<8x128xf32, #tpu.memory_space<vmem>>, vector<16xf32>,
      %parallel_loop3A_759 = arith.mulf %parallel_loop3A_240, %parallel_loop3A_758 : vector<16xf32>
      %parallel_loop3A_760 = arith.addf %parallel_loop3A_754, %parallel_loop3A_759 : vector<16xf32>
      %parallel_loop3A_761 = arith.subf %parallel_loop3A_314, %parallel_loop3A_435 : vector<16xf32>
      %parallel_loop3A_762 = arith.mulf %parallel_loop3A_761, %parallel_loop3A_510 : vector<16xf32>
      %parallel_loop3A_763 = arith.mulf %parallel_loop3A_762, %parallel_loop3A_750 : vector<16xf32>
      %parallel_loop3A_764 = arith.addf %parallel_loop3A_763, %parallel_loop3A_760 : vector<16xf32>
      %parallel_loop3A_765 = arith.subf %parallel_loop3A_321, %parallel_loop3A_545 : vector<16xf32>
      %parallel_loop3A_766 = arith.mulf %parallel_loop3A_765, %parallel_loop3A_620 : vector<16xf32>
      %parallel_loop3A_767 = arith.constant 4 : i32
      %parallel_loop3A_768 = arith.index_cast %parallel_loop3A_767 : i32 to index
      %parallel_loop3A_769 = arith.constant 48 : index
      %parallel_loop3A_770 = tpu.vector_load %arg16[%parallel_loop3A_768, %parallel_loop3A_769] {strides = array<i32>} : memref<8x128xf32, #tpu.memory_space<vmem>>, vector<16xf32>,
      %parallel_loop3A_771 = arith.mulf %parallel_loop3A_766, %parallel_loop3A_770 : vector<16xf32>
      %parallel_loop3A_772 = arith.constant 5 : i32
      %parallel_loop3A_773 = arith.index_cast %parallel_loop3A_772 : i32 to index
      %parallel_loop3A_774 = arith.constant 48 : index
      %parallel_loop3A_775 = tpu.vector_load %arg16[%parallel_loop3A_773, %parallel_loop3A_774] {strides = array<i32>} : memref<8x128xf32, #tpu.memory_space<vmem>>, vector<16xf32>,
      %parallel_loop3A_776 = arith.addf %parallel_loop3A_771, %parallel_loop3A_775 : vector<16xf32>
      %parallel_loop3A_777 = arith.addf %parallel_loop3A_764, %parallel_loop3A_776 : vector<16xf32>
      %parallel_loop3A_778 = arith.index_cast %parallel_loop3A_192 : i32 to index
      %parallel_loop3A_779 = arith.constant 48 : index
      %parallel_loop3A_780 = tpu.vector_load %arg17[%parallel_loop3A_778, %parallel_loop3A_779] {strides = array<i32>} : memref<25x128xf32, #tpu.memory_space<vmem>>, vector<16xf32>,
      tpu.vector_store %arg17[%parallel_loop3A_778, %parallel_loop3A_779], %parallel_loop3A_777 {strides = array<i32>} : memref<25x128xf32, #tpu.memory_space<vmem>>, vector<16xf32>,
      %parallel_loop3A_781 = arith.constant 0 : i32
      %parallel_loop3A_782 = arith.index_cast %parallel_loop3A_781 : i32 to index
      %parallel_loop3A_783 = arith.constant 64 : index
      %parallel_loop3A_784 = tpu.vector_load %arg16[%parallel_loop3A_782, %parallel_loop3A_783] {strides = array<i32>} : memref<8x128xf32, #tpu.memory_space<vmem>>, vector<16xf32>,
      %parallel_loop3A_785 = arith.constant 2 : i32
      %parallel_loop3A_786 = arith.index_cast %parallel_loop3A_785 : i32 to index
      %parallel_loop3A_787 = arith.constant 64 : index
      %parallel_loop3A_788 = tpu.vector_load %arg16[%parallel_loop3A_786, %parallel_loop3A_787] {strides = array<i32>} : memref<8x128xf32, #tpu.memory_space<vmem>>, vector<16xf32>,
      %parallel_loop3A_789 = arith.mulf %parallel_loop3A_240, %parallel_loop3A_788 : vector<16xf32>
      %parallel_loop3A_790 = arith.addf %parallel_loop3A_784, %parallel_loop3A_789 : vector<16xf32>
      %parallel_loop3A_791 = arith.constant 1 : i32
      %parallel_loop3A_792 = arith.index_cast %parallel_loop3A_791 : i32 to index
      %parallel_loop3A_793 = arith.constant 64 : index
      %parallel_loop3A_794 = tpu.vector_load %arg16[%parallel_loop3A_792, %parallel_loop3A_793] {strides = array<i32>} : memref<8x128xf32, #tpu.memory_space<vmem>>, vector<16xf32>,
      %parallel_loop3A_795 = arith.constant 3 : i32
      %parallel_loop3A_796 = arith.index_cast %parallel_loop3A_795 : i32 to index
      %parallel_loop3A_797 = arith.constant 64 : index
      %parallel_loop3A_798 = tpu.vector_load %arg16[%parallel_loop3A_796, %parallel_loop3A_797] {strides = array<i32>} : memref<8x128xf32, #tpu.memory_space<vmem>>, vector<16xf32>,
      %parallel_loop3A_799 = arith.mulf %parallel_loop3A_240, %parallel_loop3A_798 : vector<16xf32>
      %parallel_loop3A_800 = arith.addf %parallel_loop3A_794, %parallel_loop3A_799 : vector<16xf32>
      %parallel_loop3A_801 = arith.subf %parallel_loop3A_333, %parallel_loop3A_435 : vector<16xf32>
      %parallel_loop3A_802 = arith.mulf %parallel_loop3A_801, %parallel_loop3A_510 : vector<16xf32>
      %parallel_loop3A_803 = arith.mulf %parallel_loop3A_802, %parallel_loop3A_790 : vector<16xf32>
      %parallel_loop3A_804 = arith.addf %parallel_loop3A_803, %parallel_loop3A_800 : vector<16xf32>
      %parallel_loop3A_805 = arith.subf %parallel_loop3A_340, %parallel_loop3A_545 : vector<16xf32>
      %parallel_loop3A_806 = arith.mulf %parallel_loop3A_805, %parallel_loop3A_620 : vector<16xf32>
      %parallel_loop3A_807 = arith.constant 4 : i32
      %parallel_loop3A_808 = arith.index_cast %parallel_loop3A_807 : i32 to index
      %parallel_loop3A_809 = arith.constant 64 : index
      %parallel_loop3A_810 = tpu.vector_load %arg16[%parallel_loop3A_808, %parallel_loop3A_809] {strides = array<i32>} : memref<8x128xf32, #tpu.memory_space<vmem>>, vector<16xf32>,
      %parallel_loop3A_811 = arith.mulf %parallel_loop3A_806, %parallel_loop3A_810 : vector<16xf32>
      %parallel_loop3A_812 = arith.constant 5 : i32
      %parallel_loop3A_813 = arith.index_cast %parallel_loop3A_812 : i32 to index
      %parallel_loop3A_814 = arith.constant 64 : index
      %parallel_loop3A_815 = tpu.vector_load %arg16[%parallel_loop3A_813, %parallel_loop3A_814] {strides = array<i32>} : memref<8x128xf32, #tpu.memory_space<vmem>>, vector<16xf32>,
      %parallel_loop3A_816 = arith.addf %parallel_loop3A_811, %parallel_loop3A_815 : vector<16xf32>
      %parallel_loop3A_817 = arith.addf %parallel_loop3A_804, %parallel_loop3A_816 : vector<16xf32>
      %parallel_loop3A_818 = arith.index_cast %parallel_loop3A_192 : i32 to index
      %parallel_loop3A_819 = arith.constant 64 : index
      %parallel_loop3A_820 = tpu.vector_load %arg17[%parallel_loop3A_818, %parallel_loop3A_819] {strides = array<i32>} : memref<25x128xf32, #tpu.memory_space<vmem>>, vector<16xf32>,
      tpu.vector_store %arg17[%parallel_loop3A_818, %parallel_loop3A_819], %parallel_loop3A_817 {strides = array<i32>} : memref<25x128xf32, #tpu.memory_space<vmem>>, vector<16xf32>,
      %parallel_loop3A_821 = arith.constant 0 : i32
      %parallel_loop3A_822 = arith.index_cast %parallel_loop3A_821 : i32 to index
      %parallel_loop3A_823 = arith.constant 80 : index
      %parallel_loop3A_824 = tpu.vector_load %arg16[%parallel_loop3A_822, %parallel_loop3A_823] {strides = array<i32>} : memref<8x128xf32, #tpu.memory_space<vmem>>, vector<16xf32>,
      %parallel_loop3A_825 = arith.constant 2 : i32
      %parallel_loop3A_826 = arith.index_cast %parallel_loop3A_825 : i32 to index
      %parallel_loop3A_827 = arith.constant 80 : index
      %parallel_loop3A_828 = tpu.vector_load %arg16[%parallel_loop3A_826, %parallel_loop3A_827] {strides = array<i32>} : memref<8x128xf32, #tpu.memory_space<vmem>>, vector<16xf32>,
      %parallel_loop3A_829 = arith.mulf %parallel_loop3A_240, %parallel_loop3A_828 : vector<16xf32>
      %parallel_loop3A_830 = arith.addf %parallel_loop3A_824, %parallel_loop3A_829 : vector<16xf32>
      %parallel_loop3A_831 = arith.constant 1 : i32
      %parallel_loop3A_832 = arith.index_cast %parallel_loop3A_831 : i32 to index
      %parallel_loop3A_833 = arith.constant 80 : index
      %parallel_loop3A_834 = tpu.vector_load %arg16[%parallel_loop3A_832, %parallel_loop3A_833] {strides = array<i32>} : memref<8x128xf32, #tpu.memory_space<vmem>>, vector<16xf32>,
      %parallel_loop3A_835 = arith.constant 3 : i32
      %parallel_loop3A_836 = arith.index_cast %parallel_loop3A_835 : i32 to index
      %parallel_loop3A_837 = arith.constant 80 : index
      %parallel_loop3A_838 = tpu.vector_load %arg16[%parallel_loop3A_836, %parallel_loop3A_837] {strides = array<i32>} : memref<8x128xf32, #tpu.memory_space<vmem>>, vector<16xf32>,
      %parallel_loop3A_839 = arith.mulf %parallel_loop3A_240, %parallel_loop3A_838 : vector<16xf32>
      %parallel_loop3A_840 = arith.addf %parallel_loop3A_834, %parallel_loop3A_839 : vector<16xf32>
      %parallel_loop3A_841 = arith.subf %parallel_loop3A_352, %parallel_loop3A_435 : vector<16xf32>
      %parallel_loop3A_842 = arith.mulf %parallel_loop3A_841, %parallel_loop3A_510 : vector<16xf32>
      %parallel_loop3A_843 = arith.mulf %parallel_loop3A_842, %parallel_loop3A_830 : vector<16xf32>
      %parallel_loop3A_844 = arith.addf %parallel_loop3A_843, %parallel_loop3A_840 : vector<16xf32>
      %parallel_loop3A_845 = arith.subf %parallel_loop3A_359, %parallel_loop3A_545 : vector<16xf32>
      %parallel_loop3A_846 = arith.mulf %parallel_loop3A_845, %parallel_loop3A_620 : vector<16xf32>
      %parallel_loop3A_847 = arith.constant 4 : i32
      %parallel_loop3A_848 = arith.index_cast %parallel_loop3A_847 : i32 to index
      %parallel_loop3A_849 = arith.constant 80 : index
      %parallel_loop3A_850 = tpu.vector_load %arg16[%parallel_loop3A_848, %parallel_loop3A_849] {strides = array<i32>} : memref<8x128xf32, #tpu.memory_space<vmem>>, vector<16xf32>,
      %parallel_loop3A_851 = arith.mulf %parallel_loop3A_846, %parallel_loop3A_850 : vector<16xf32>
      %parallel_loop3A_852 = arith.constant 5 : i32
      %parallel_loop3A_853 = arith.index_cast %parallel_loop3A_852 : i32 to index
      %parallel_loop3A_854 = arith.constant 80 : index
      %parallel_loop3A_855 = tpu.vector_load %arg16[%parallel_loop3A_853, %parallel_loop3A_854] {strides = array<i32>} : memref<8x128xf32, #tpu.memory_space<vmem>>, vector<16xf32>,
      %parallel_loop3A_856 = arith.addf %parallel_loop3A_851, %parallel_loop3A_855 : vector<16xf32>
      %parallel_loop3A_857 = arith.addf %parallel_loop3A_844, %parallel_loop3A_856 : vector<16xf32>
      %parallel_loop3A_858 = arith.index_cast %parallel_loop3A_192 : i32 to index
      %parallel_loop3A_859 = arith.constant 80 : index
      %parallel_loop3A_860 = tpu.vector_load %arg17[%parallel_loop3A_858, %parallel_loop3A_859] {strides = array<i32>} : memref<25x128xf32, #tpu.memory_space<vmem>>, vector<16xf32>,
      tpu.vector_store %arg17[%parallel_loop3A_858, %parallel_loop3A_859], %parallel_loop3A_857 {strides = array<i32>} : memref<25x128xf32, #tpu.memory_space<vmem>>, vector<16xf32>,
      %parallel_loop3A_861 = arith.constant 0 : i32
      %parallel_loop3A_862 = arith.index_cast %parallel_loop3A_861 : i32 to index
      %parallel_loop3A_863 = arith.constant 96 : index
      %parallel_loop3A_864 = tpu.vector_load %arg16[%parallel_loop3A_862, %parallel_loop3A_863] {strides = array<i32>} : memref<8x128xf32, #tpu.memory_space<vmem>>, vector<16xf32>,
      %parallel_loop3A_865 = arith.constant 2 : i32
      %parallel_loop3A_866 = arith.index_cast %parallel_loop3A_865 : i32 to index
      %parallel_loop3A_867 = arith.constant 96 : index
      %parallel_loop3A_868 = tpu.vector_load %arg16[%parallel_loop3A_866, %parallel_loop3A_867] {strides = array<i32>} : memref<8x128xf32, #tpu.memory_space<vmem>>, vector<16xf32>,
      %parallel_loop3A_869 = arith.mulf %parallel_loop3A_240, %parallel_loop3A_868 : vector<16xf32>
      %parallel_loop3A_870 = arith.addf %parallel_loop3A_864, %parallel_loop3A_869 : vector<16xf32>
      %parallel_loop3A_871 = arith.constant 1 : i32
      %parallel_loop3A_872 = arith.index_cast %parallel_loop3A_871 : i32 to index
      %parallel_loop3A_873 = arith.constant 96 : index
      %parallel_loop3A_874 = tpu.vector_load %arg16[%parallel_loop3A_872, %parallel_loop3A_873] {strides = array<i32>} : memref<8x128xf32, #tpu.memory_space<vmem>>, vector<16xf32>,
      %parallel_loop3A_875 = arith.constant 3 : i32
      %parallel_loop3A_876 = arith.index_cast %parallel_loop3A_875 : i32 to index
      %parallel_loop3A_877 = arith.constant 96 : index
      %parallel_loop3A_878 = tpu.vector_load %arg16[%parallel_loop3A_876, %parallel_loop3A_877] {strides = array<i32>} : memref<8x128xf32, #tpu.memory_space<vmem>>, vector<16xf32>,
      %parallel_loop3A_879 = arith.mulf %parallel_loop3A_240, %parallel_loop3A_878 : vector<16xf32>
      %parallel_loop3A_880 = arith.addf %parallel_loop3A_874, %parallel_loop3A_879 : vector<16xf32>
      %parallel_loop3A_881 = arith.subf %parallel_loop3A_371, %parallel_loop3A_435 : vector<16xf32>
      %parallel_loop3A_882 = arith.mulf %parallel_loop3A_881, %parallel_loop3A_510 : vector<16xf32>
      %parallel_loop3A_883 = arith.mulf %parallel_loop3A_882, %parallel_loop3A_870 : vector<16xf32>
      %parallel_loop3A_884 = arith.addf %parallel_loop3A_883, %parallel_loop3A_880 : vector<16xf32>
      %parallel_loop3A_885 = arith.subf %parallel_loop3A_378, %parallel_loop3A_545 : vector<16xf32>
      %parallel_loop3A_886 = arith.mulf %parallel_loop3A_885, %parallel_loop3A_620 : vector<16xf32>
      %parallel_loop3A_887 = arith.constant 4 : i32
      %parallel_loop3A_888 = arith.index_cast %parallel_loop3A_887 : i32 to index
      %parallel_loop3A_889 = arith.constant 96 : index
      %parallel_loop3A_890 = tpu.vector_load %arg16[%parallel_loop3A_888, %parallel_loop3A_889] {strides = array<i32>} : memref<8x128xf32, #tpu.memory_space<vmem>>, vector<16xf32>,
      %parallel_loop3A_891 = arith.mulf %parallel_loop3A_886, %parallel_loop3A_890 : vector<16xf32>
      %parallel_loop3A_892 = arith.constant 5 : i32
      %parallel_loop3A_893 = arith.index_cast %parallel_loop3A_892 : i32 to index
      %parallel_loop3A_894 = arith.constant 96 : index
      %parallel_loop3A_895 = tpu.vector_load %arg16[%parallel_loop3A_893, %parallel_loop3A_894] {strides = array<i32>} : memref<8x128xf32, #tpu.memory_space<vmem>>, vector<16xf32>,
      %parallel_loop3A_896 = arith.addf %parallel_loop3A_891, %parallel_loop3A_895 : vector<16xf32>
      %parallel_loop3A_897 = arith.addf %parallel_loop3A_884, %parallel_loop3A_896 : vector<16xf32>
      %parallel_loop3A_898 = arith.index_cast %parallel_loop3A_192 : i32 to index
      %parallel_loop3A_899 = arith.constant 96 : index
      %parallel_loop3A_900 = tpu.vector_load %arg17[%parallel_loop3A_898, %parallel_loop3A_899] {strides = array<i32>} : memref<25x128xf32, #tpu.memory_space<vmem>>, vector<16xf32>,
      tpu.vector_store %arg17[%parallel_loop3A_898, %parallel_loop3A_899], %parallel_loop3A_897 {strides = array<i32>} : memref<25x128xf32, #tpu.memory_space<vmem>>, vector<16xf32>,
      %parallel_loop3A_901 = arith.constant 0 : i32
      %parallel_loop3A_902 = arith.index_cast %parallel_loop3A_901 : i32 to index
      %parallel_loop3A_903 = arith.constant 112 : index
      %parallel_loop3A_904 = tpu.vector_load %arg16[%parallel_loop3A_902, %parallel_loop3A_903] {strides = array<i32>} : memref<8x128xf32, #tpu.memory_space<vmem>>, vector<16xf32>,
      %parallel_loop3A_905 = arith.constant 2 : i32
      %parallel_loop3A_906 = arith.index_cast %parallel_loop3A_905 : i32 to index
      %parallel_loop3A_907 = arith.constant 112 : index
      %parallel_loop3A_908 = tpu.vector_load %arg16[%parallel_loop3A_906, %parallel_loop3A_907] {strides = array<i32>} : memref<8x128xf32, #tpu.memory_space<vmem>>, vector<16xf32>,
      %parallel_loop3A_909 = arith.mulf %parallel_loop3A_240, %parallel_loop3A_908 : vector<16xf32>
      %parallel_loop3A_910 = arith.addf %parallel_loop3A_904, %parallel_loop3A_909 : vector<16xf32>
      %parallel_loop3A_911 = arith.constant 1 : i32
      %parallel_loop3A_912 = arith.index_cast %parallel_loop3A_911 : i32 to index
      %parallel_loop3A_913 = arith.constant 112 : index
      %parallel_loop3A_914 = tpu.vector_load %arg16[%parallel_loop3A_912, %parallel_loop3A_913] {strides = array<i32>} : memref<8x128xf32, #tpu.memory_space<vmem>>, vector<16xf32>,
      %parallel_loop3A_915 = arith.constant 3 : i32
      %parallel_loop3A_916 = arith.index_cast %parallel_loop3A_915 : i32 to index
      %parallel_loop3A_917 = arith.constant 112 : index
      %parallel_loop3A_918 = tpu.vector_load %arg16[%parallel_loop3A_916, %parallel_loop3A_917] {strides = array<i32>} : memref<8x128xf32, #tpu.memory_space<vmem>>, vector<16xf32>,
      %parallel_loop3A_919 = arith.mulf %parallel_loop3A_240, %parallel_loop3A_918 : vector<16xf32>
      %parallel_loop3A_920 = arith.addf %parallel_loop3A_914, %parallel_loop3A_919 : vector<16xf32>
      %parallel_loop3A_921 = arith.subf %parallel_loop3A_390, %parallel_loop3A_435 : vector<16xf32>
      %parallel_loop3A_922 = arith.mulf %parallel_loop3A_921, %parallel_loop3A_510 : vector<16xf32>
      %parallel_loop3A_923 = arith.mulf %parallel_loop3A_922, %parallel_loop3A_910 : vector<16xf32>
      %parallel_loop3A_924 = arith.addf %parallel_loop3A_923, %parallel_loop3A_920 : vector<16xf32>
      %parallel_loop3A_925 = arith.subf %parallel_loop3A_397, %parallel_loop3A_545 : vector<16xf32>
      %parallel_loop3A_926 = arith.mulf %parallel_loop3A_925, %parallel_loop3A_620 : vector<16xf32>
      %parallel_loop3A_927 = arith.constant 4 : i32
      %parallel_loop3A_928 = arith.index_cast %parallel_loop3A_927 : i32 to index
      %parallel_loop3A_929 = arith.constant 112 : index
      %parallel_loop3A_930 = tpu.vector_load %arg16[%parallel_loop3A_928, %parallel_loop3A_929] {strides = array<i32>} : memref<8x128xf32, #tpu.memory_space<vmem>>, vector<16xf32>,
      %parallel_loop3A_931 = arith.mulf %parallel_loop3A_926, %parallel_loop3A_930 : vector<16xf32>
      %parallel_loop3A_932 = arith.constant 5 : i32
      %parallel_loop3A_933 = arith.index_cast %parallel_loop3A_932 : i32 to index
      %parallel_loop3A_934 = arith.constant 112 : index
      %parallel_loop3A_935 = tpu.vector_load %arg16[%parallel_loop3A_933, %parallel_loop3A_934] {strides = array<i32>} : memref<8x128xf32, #tpu.memory_space<vmem>>, vector<16xf32>,
      %parallel_loop3A_936 = arith.addf %parallel_loop3A_931, %parallel_loop3A_935 : vector<16xf32>
      %parallel_loop3A_937 = arith.addf %parallel_loop3A_924, %parallel_loop3A_936 : vector<16xf32>
      %parallel_loop3A_938 = arith.index_cast %parallel_loop3A_192 : i32 to index
      %parallel_loop3A_939 = arith.constant 112 : index
      %parallel_loop3A_940 = tpu.vector_load %arg17[%parallel_loop3A_938, %parallel_loop3A_939] {strides = array<i32>} : memref<25x128xf32, #tpu.memory_space<vmem>>, vector<16xf32>,
      tpu.vector_store %arg17[%parallel_loop3A_938, %parallel_loop3A_939], %parallel_loop3A_937 {strides = array<i32>} : memref<25x128xf32, #tpu.memory_space<vmem>>, vector<16xf32>,
    } {sc.loop_unroll_factor = 5 : i64, sc.parallel_access}
    %dma_start3A_186 = arith.constant 0 : i32
    %dma_start3A_187 = arith.constant 0 : i32
    %dma_start3A_188 = tpu.memref_slice %arg7[%dma_start3A_186, %dma_start3A_187] : memref<800x128xf32, #tpu.memory_space<hbm>> -> memref<800x128xf32, #tpu.memory_space<hbm>>
    tpu.enqueue_indirect_dma source(%arg17 : memref<25x128xf32, #tpu.memory_space<vmem>>) target(%dma_start3A_188 : memref<800x128xf32, #tpu.memory_space<hbm>>) offsets(%arg18 : memref<25xi32, #tpu.memory_space<vmem>>) semaphore(%arg22 : memref<!tpu.dma_semaphore, #tpu.memory_space<semaphore_mem>>)
    %dma_wait3A_189 = arith.constant 0 : i32
    %dma_wait3A_190 = arith.constant 0 : i32
    %dma_wait3A_191 = tpu.memref_slice %arg7[%dma_wait3A_189, %dma_wait3A_190] : memref<800x128xf32, #tpu.memory_space<hbm>> -> memref<800x128xf32, #tpu.memory_space<hbm>>
    tpu.wait_indirect_dma semaphore(%arg22 : memref<!tpu.dma_semaphore, #tpu.memory_space<semaphore_mem>>) src(%arg17 : memref<25x128xf32, #tpu.memory_space<vmem>>) dst(%dma_wait3A_191 : memref<800x128xf32, #tpu.memory_space<hbm>>)
    return
  }
}

</mosaic_0001>

<sc_bundles>
// kernel: kernel.3.cloned.1.call-start
scs
__scs_entry_jumppad:
0x0: {  	(pc) =	sbr.rel $0x88, $3  }
0x1: {  	(tag) =	ssettag $0x0;
	lr =	simm.s32 $0x1  }
0x2: {  	[smem:$0x3F96] =	sst lr;
	_ =	strace $0xD0000000  }
0x3: {  	_ = 	snop  }
0x4: {  	_ = 	snop  }
0x5: {  	_ = 	snop  }
0x6: {  	_ = 	snop  }
0x7: {  	_ = 	snop  }
__scs_overlays_trampoline_lowered:
0x8: {  	[smem:$0x3FA5] =	sst s0  }
0x9: {  	[smem:$0x3FA6] =	sst s1  }
0xa: {  	[smem:$0x3FA7] =	sst s2  }
0xb: {  	[smem:$0x3FA8] =	sst s3  }
0xc: {  	[smem:$0x3FA9] =	sst s4  }
0xd: {  	[smem:$0x3FAA] =	sst s5  }
0xe: {  	[smem:$0x3FAB] =	sst s6  }
0xf: {  	[smem:$0x3FAC] =	sst s7  }
0x10: {  	[smem:$0x3FAD] =	sst s8  }
0x11: {  	[smem:$0x3FAE] =	sst s9;
	s0 =	simm.s32 @!p0 $0x0  }
0x12: {  	s1 =	sld [smem:$0x3F94];
	s0 =	simm.s32 @p0 $0x1  }
0x13: {  	[smem:$0x3FAF] =	sst s0;
	s0 =	simm.s32 @!p1 $0x0  }
0x14: {  	s2 =	sld [smem:$0x3F93];
	s0 =	simm.s32 @p1 $0x1  }
0x15: {  	[smem:$0x3FB0] =	sst s0;
	s0 =	simm.s32 @!p2 $0x0  }
0x16: {  	s3 =	sld [smem:$0x3FDB];
	s0 =	simm.s32 @p2 $0x1  }
0x17: {  	s4 =	simm.s32 $0x1BF5;
	[smem:$0x3FB2] =	sst s0  }
0x18: {  	s0 =	sld [smem:$0x3F95];
	_ =	swait.ge [sflag:s4], $0x0  }
0x19: {  	s7 =	sld [smem:$0x3F96]  }
0x1a: {  	s8 =	sadd.s32 $0xFFFFE003, lr  }
0x1b: {  	s9 =	sadd.s32 $0xFFFFFEF7, lr;
	s5 =	simm.s32 $0xFFFFFFFF;
	p2 =	slt.u32 s8, $0xFFFFF086  }
0x1c: {  	p1 =	slt.u32 s9, $0xF7A;
	s5 =	simm.s32 @!p2 $0x0  }
0x1d: {  	s5 =	simm.s32 @p1 $0x1;
	p0 =	seq.s32 s7, s2  }
0x1e: {  	s7 =	smul.u32 @!p0 $0xF7A, s2;
	p2 =	seq.s32 @!p0 s5, $0x0  }
0x1f: {  	s9 =	smul.u32 $0xF7A, s1;
	s8 =	simm.s32 @!p0 $0x1BF5;
	p2 =	por !p2, p0  }
0x20: {  	[sflag:s8] =	ssyncset.s32 @!p0 $0xFFFFF086;
	s6 =	sadd.s32 @!p0 s3, s7;
	s7 =	simm.s32 @!p0 $0x108  }
0x21: {  	s3 =	sadd.s32 s3, s9;
	s6 =	sadd.s32 @!p0 $0x88, s6;
	s7 =	simm.s32 @p2 $0x1082  }
0x22: {  	[simem:s7], [sflag:s8] =	dma.local @!p0 [hbm:s6], $0xF7A  }
0x23: {  	s9 =	sor.u32 $0xD0000000, s2;
	s6 =	simm.s32 $0x108;
	_ =	swait.ge @!p0 [sflag:s8], $0x0  }
0x24: {  	s3 =	sadd.s32 $0x88, s3;
	s6 =	simm.s32 @!p1 $0x1082;
	[sflag:s4] =	ssyncset.s32 $0xFFFFF086  }
0x25: {  	[simem:s6], [sflag:s4] =	dma.local [hbm:s3], $0xF7A  }
0x26: {  	[smem:$0x3F96] =	sst s1;
	(tag) =	ssettag s2;
	_ =	strace s9  }
0x27: {  	s1 =	sld [smem:$0x3FA6]  }
0x28: {  	s2 =	sld [smem:$0x3FA7]  }
0x29: {  	s4 =	sld [smem:$0x3FA9]  }
0x2a: {  	p0 =	seq.s32 s5, $0x0;
	s5 =	sld [smem:$0x3FAA]  }
0x2b: {  	s6 =	sld [smem:$0x3FAB]  }
0x2c: {  	s7 =	sld [smem:$0x3FAC]  }
0x2d: {  	s3 =	simm.s32 $0x108;
	s8 =	sld [smem:$0x3FAD]  }
0x2e: {  	s3 =	simm.s32 @!p0 $0x1082;
	s9 =	sld [smem:$0x3FAE]  }
0x2f: {  	lr =	sadd.s32 s0, s3;
	s0 =	sld [smem:$0x3FA5]  }
0x30: {  	s3 =	sld [smem:$0x3FA8]  }
0x31: {  	[smem:$0x3FB1] =	sst s10  }
0x32: {  	s10 =	sld [smem:$0x3FAF];
	_ =	sdelay $0x3  }
0x33: {  	p0 =	seq.s32 s10, $0x1;
	s10 =	sld [smem:$0x3FB1];
	_ =	sdelay $0x3  }
0x34: {  	[smem:$0x3FB1] =	sst s10  }
0x35: {  	s10 =	sld [smem:$0x3FB0];
	_ =	sdelay $0x3  }
0x36: {  	p1 =	seq.s32 s10, $0x1;
	s10 =	sld [smem:$0x3FB1];
	_ =	sdelay $0x3  }
0x37: {  	[smem:$0x3FB1] =	sst s10  }
0x38: {  	s10 =	sld [smem:$0x3FB2]  }
0x39: {  	_ = 	snop;
	(pc) =	sbr.ind lr, $3  }
0x3a: {  	_ = 	snop  }
0x3b: {  	_ = 	snop  }
0x3c: {  	p2 =	seq.s32 s10, $0x1;
	s10 =	sld [smem:$0x3FB1]  }
0x3d: {  	_ =	shalt  }
0x3e: {  	_ =	shalt  }
0x3f: {  	_ =	shalt  }
0x40: {  	_ =	shalt  }
0x41: {  	_ =	shalt  }
0x42: {  	_ =	shalt  }
0x43: {  	_ =	shalt  }
0x44: {  	_ =	shalt  }
0x45: {  	_ =	shalt  }
0x46: {  	_ =	shalt  }
0x47: {  	_ =	shalt  }
0x48: {  	_ =	shalt  }
0x49: {  	_ =	shalt  }
0x4a: {  	_ =	shalt  }
0x4b: {  	_ =	shalt  }
0x4c: {  	_ =	shalt  }
0x4d: {  	_ =	shalt  }
0x4e: {  	_ =	shalt  }
0x4f: {  	_ =	shalt  }
0x50: {  	_ =	shalt  }
0x51: {  	_ =	shalt  }
0x52: {  	_ =	shalt  }
0x53: {  	_ =	shalt  }
0x54: {  	_ =	shalt  }
0x55: {  	_ =	shalt  }
0x56: {  	_ =	shalt  }
0x57: {  	_ =	shalt  }
0x58: {  	_ =	shalt  }
0x59: {  	_ =	shalt  }
0x5a: {  	_ =	shalt  }
0x5b: {  	_ =	shalt  }
0x5c: {  	_ =	shalt  }
0x5d: {  	_ =	shalt  }
0x5e: {  	_ =	shalt  }
0x5f: {  	_ =	shalt  }
0x60: {  	_ =	shalt  }
0x61: {  	_ =	shalt  }
0x62: {  	_ =	shalt  }
0x63: {  	_ =	shalt  }
0x64: {  	_ =	shalt  }
0x65: {  	_ =	shalt  }
0x66: {  	_ =	shalt  }
0x67: {  	_ =	shalt  }
0x68: {  	_ =	shalt  }
0x69: {  	_ =	shalt  }
0x6a: {  	_ =	shalt  }
0x6b: {  	_ =	shalt  }
0x6c: {  	_ =	shalt  }
0x6d: {  	_ =	shalt  }
0x6e: {  	_ =	shalt  }
0x6f: {  	_ =	shalt  }
0x70: {  	_ =	shalt  }
0x71: {  	_ =	shalt  }
0x72: {  	_ =	shalt  }
0x73: {  	_ =	shalt  }
0x74: {  	_ =	shalt  }
0x75: {  	_ =	shalt  }
0x76: {  	_ =	shalt  }
0x77: {  	_ =	shalt  }
0x78: {  	_ =	shalt  }
0x79: {  	_ =	shalt  }
0x7a: {  	_ =	shalt  }
0x7b: {  	_ =	shalt  }
0x7c: {  	_ =	shalt  }
0x7d: {  	_ =	shalt  }
0x7e: {  	_ =	shalt  }
0x7f: {  	_ =	shalt  }
0x80: {  	_ =	shalt  }
0x81: {  	_ =	shalt  }
0x82: {  	_ =	shalt  }
0x83: {  	_ =	shalt  }
0x84: {  	_ =	shalt  }
0x85: {  	_ =	shalt  }
0x86: {  	_ =	shalt  }
0x87: {  	_ =	shalt  }
.Lfunc_end0:
.L_simem_size_0:
called_computation_lowered:
.L_overlay_start_0:
0x88: {  	s2 =	sld [smem:$0x3FD9]  }
0x89: {  	s3 =	sld [smem:$0x3FFE];
	_ =	sdelay $0x1  }
0x8a: {  	s1 =	srdreg.scid  }
0x8b: {  	s0 =	sand.u32 $0x1, s1  }
0x8c: {  	s17 =	sshll.u32 s0, $0xA;
	s2 =	sadd.s32 s3, s2  }
0x8d: {  	s2 =	sadd.s32 s2, s17  }
0x8e: {  	[smem:$0x3FBD] =	sst s2  }
0x8f: {  	_ = 	snop  }
0x90: {  	s2 =	sld [smem:$0x3FC9]  }
0x91: {  	s18 =	sld [smem:$0x3FC6]  }
0x92: {  	s4 =	sld [smem:$0x3FD0];
	(tm) =	ssettm $0x1  }
0x93: {  	s5 =	sld [smem:$0x3FFB];
	_ =	sdelay $0x3  }
0x94: {  	_ =	strace s5  }
0x95: {  	s5 =	sld [smem:$0x3FFC];
	_ =	sdelay $0x3  }
0x96: {  	_ =	strace s5  }
0x97: {  	s5 =	sld [smem:$0x3FFD];
	_ =	sdelay $0x3  }
0x98: {  	_ =	strace s5  }
0x99: {  	_ =	strace $0x8FFFFFFF  }
0x9a: {  	s19 =	sld [smem:$0x3FDB];
	_ =	sdelay $0x1  }
0x9b: {  	s6 =	simm.s32 $_scs_section_size  }
0x9c: {  	s7 =	simm.s32 $_size__tile_overlayer_lowered;
	s8 =	simm.s32 $_tile_overlayer_lowered  }
0x9d: {  	s22 =	simm.s32 $0x1BFF;
	s21 =	sshll.u32 s8, $0x1;
	s5 =	sadd.s32 s6, s19  }
0x9e: {  	s9 =	simm.s32 $0x0;
	s20 =	sshll.u32 s7, $0x1;
	s7 =	sadd.s32 s21, s5  }
0x9f: {  	[timem:s9], [sflag:s22] =	dma.local [hbm:s7], s20  }
0xa0: {  	_ =	swait.ge [sflag:s22], s20  }
0xa1: {  	s6 =	ssub.s32 $0x0, s20;
	[sflag:s22] =	ssyncset.done $0x0  }
0xa2: {  	[sflag:s22] =	ssyncadd.s32 s6;
	_ =	sdelay $0x1  }
0xa3: {  	s23 =	simm.s32 $0x1B8B  }
0xa4: {  	_ =	swait.ge [sflag:s23], $0x1  }
0xa5: {  	[sflag:s23] =	ssyncset.done $0x0  }
0xa6: {  	s25 =	simm.s32 $0x1B8E;
	s24 =	sld [smem:$0x3FFE];
	[sflag:s23] =	ssyncadd.s32 $0xFFFFFFFF  }
0xa7: {  	s26 =	simm.s32 $execute0_lowered;
	[smem:$0x3FD2] =	sst s25  }
0xa8: {  	s7 =	sshll.u32 s26, $0x1;
	_ =	strace $0x80000046;
	[dreg:$0x1] =	wrdreg $0xFFFFFFFF  }
0xa9: {  	s28 =	simm.s32 $_size_execute0_lowered;
	s5 =	sadd.s32 s5, s7;
	[dreg:$0x0] =	wrdreg $0x0  }
0xaa: {  	s7 =	sshll.u32 s28, $0x1;
	[dreg:$0x2] =	wrdreg s5  }
0xab: {  	[dreg:$0x3] =	wrdreg s7  }
0xac: {  	[dreg:$0x4] =	wrdreg $0xC0  }
0xad: {  	_ =	task [dreg:s9], $0x5FFFF  }
0xae: {  	[dreg:$0x1] =	wrdreg $0xFFFFFFFF  }
0xaf: {  	[dreg:$0x0] =	wrdreg $0x60  }
0xb0: {  	[dreg:$0x2] =	wrdreg s2  }
0xb1: {  	[dreg:$0x3] =	wrdreg s24  }
0xb2: {  	[dreg:$0x4] =	wrdreg s18  }
0xb3: {  	[dreg:$0x5] =	wrdreg s4  }
0xb4: {  	[dreg:$0x6] =	wrdreg $0x9  }
0xb5: {  	_ =	task.clear_ibuf [dreg:s9], $0x7FFFF;
	_ =	strace $0x90000046  }
0xb6: {  	s29 =	simm.s32 $0x9;
	_ =	strace $0x80000048  }
0xb7: {  	_ =	swait.ge [sflag:s29], $0x1  }
0xb8: {  	[sflag:s29] =	ssyncadd.s32 $0xFFFFFFFF  }
0xb9: {  	_ =	strace $0x90000048  }
0xba: {  	_ =	sfence  }
0xbb: {  	s30 =	sld [smem:$0x0];
	_ =	sdelay $0x2  }
0xbc: {  	s31 =	sshll.u32 s1, $0xD;
	s1 =	sshrl.u32 s1, $0x2  }
0xbd: {  	s3 =	sand.u32 $0x4000, s31;
	s1 =	sadd.s32 s1, s30  }
0xbe: {  	s0 =	sor.u32 s3, s0;
	s1 =	sshll.u32 s1, $0x11  }
0xbf: {  	s0 =	sor.u32 s1, s0  }
0xc0: {  	s0 =	sadd.s32 $0x8F2B, s0  }
0xc1: {  	[sflag:s0] =	ssyncadd.remote.s32 $0x1  }
0xc2: {  	_ =	sfence.sel $0xFFFF  }
0xc3: {  	[dreg:$0x0] =	wrdreg $0xFFFFFFFF;
	(pc) =	sbr.abs _section_cstart, $3  }
0xc4: {  	[dreg:$0x1] =	wrdreg $0xFFFFFFFF  }
0xc5: {  	_ =	task.clear_ibuf [dreg:s9], $0x2FFFF;
	_ =	strace $0x9FFFFFFF  }
0xc6: {  	(tm) =	ssettm $0x7FFFFFFF  }
0xc7: {  	_ =	shalt  }
tec
execute0_lowered:
.L_overlay_start_1:
0x0: {  	(tag) =	ssettag $0x1  }
0x1: {  	s0 =	srdreg.scid;
	s1 =	stileid.u32  }
0x2: {  	s0 =	sand.u32 $0x1, s0;
	s1 =	sshll.u32 s1, $0x1  }
0x3: {  	s1 =	sor.u32 s0, s1  }
0x4: {  	s1 =	smul.u32 $0x19, s1;
	_ =	sdelay $0x1  }
0x5: {  	s2 =	sand.u32 $0x3F8, s1  }
0x6: {  	s3 =	smin.u32 s2, $0x300  }
0x7: {  	v1 =	vlaneseq.u32;
	v0 =	vmov s3  }
0x8: {  	v52 =	vimm.s32 $0xEFCDAB89;
	v54 =	vimm.s32 $0x67452301;
	s2 =	sadd.s32 $0x10, s3;
	v0 =	vbroadcast v0, $0x0  }
0x9: {  	v5 =	vimm.s32 $0xDCFE98BA;
	v6 =	vimm.s32 $0x54761032;
	v50 =	vmov s2  }
0xa: {  	v58 =	vimm.s32 $0xBA98FEDC;
	v7 =	vadd.s32 v1, v0;
	v0 =	vbroadcast v50, $0x0  }
0xb: {  	v59 =	vimm.s32 $0x32107654;
	v60 =	vimm.s32 $0xFEDCBA98;
	v2 =	vmulhi.u32 $0x51EB851F, v7  }
0xc: {  	v61 =	vimm.s32 $0x76543210;
	v5 =	vunpack.c.l.s4.s8 v5;
	v9 =	vadd.s32 v1, v0  }
0xd: {  	v53 =	vunpack.c.l.s4.s8 v52;
	v2 =	vshrl.u32 v2, $0x6;
	v1 =	vmulhi.u32 $0x51EB851F, v9  }
0xe: {  	v56 =	vunpack.c.l.s4.s8 v6;
	v57 =	vunpack.c.0.s8.s32 v5;
	v51 =	vmul.u32 $0x32, v2  }
0xf: {  	v3 =	vmov s1;
	v2 =	vmul.u32 $0xFFFFFF38, v2;
	v1 =	vshrl.u32 v1, $0x6  }
0x10: {  	s31 =	rddreg [dreg:$0x1];
	v8 =	vsub.s32 v7, v3;
	[tilespmem:$0x1FF60] =	vst v7;
	v0 =	vadd.s32 $0xFFFE7960, v51;
	v4 =	vmul.u32 $0x32, v1  }
0x11: {  	s4 =	rddreg [dreg:$0x3];
	s5 =	simm.s32 $0x0;
	s10 =	simm.s32 $0x5;
	v10 =	vsub.s32 v9, v3;
	v3 =	vunpack.c.l.s4.s8 v54;
	v2 =	vadd.s32 v7, v2;
	[tilespmem:$0x1FF50] =	vst v0  }
0x12: {  	s11 =	simm.s32 $0x80;
	s12 =	simm.s32 $0x19;
	s13 =	simm.s32 $0x280;
	v5 =	vunpack.c.l.s4.s8 v59;
	v1 =	vmul.u32 $0xFFFFFF38, v1;
	[tilespmem:$0x1FF70] =	vst v2;
	v55 =	vadd.s32 $0xFFFE7960, v4  }
0x13: {  	s14 =	simm.s32 $0x100;
	s15 =	simm.s32 $0x180;
	[smem:$0x7FF] =	sst s5;
	v3 =	vunpack.c.0.s8.s32 v3;
	v0 =	vunpack.c.0.s8.s32 v53;
	v4 =	vunpack.c.l.s4.s8 v58;
	[tilespmem:$0x1FF80] =	vst v55  }
0x14: {  	s16 =	simm.s32 $0x200;
	s17 =	simm.s32 $0x4680;
	v6 =	vunpack.c.l.s4.s8 v60;
	v2 =	vunpack.c.0.s8.s32 v56;
	v1 =	vadd.s32 v9, v1;
	_ =	strace $0x80000047;
	[tilespmem:$0x1FF90] =	vst v9  }
0x15: {  	s18 =	simm.s32 $0x1280;
	s19 =	simm.s32 $0x2280;
	s20 =	simm.s32 $0x3280;
	v5 =	vunpack.c.0.s8.s32 v5;
	v0 =	vcombine.low v3, v0;
	v4 =	vunpack.c.0.s8.s32 v4;
	[tilespmem:$0x1FFA0] =	vst v1  }
0x16: {  	s21 =	simm.s32 $0x1;
	s22 =	simm.s32 $0x2;
	s23 =	simm.s32 $0x3;
	v62 =	vunpack.c.0.s8.s32 v6;
	v2 =	vcombine.low v2, v57;
	v3 =	vunpack.c.l.s4.s8 v61;
	[tilespmem:$0x1FFB0] =	vst v10  }
0x17: {  	s24 =	simm.s32 $0x3680;
	s25 =	simm.s32 $0x4;
	s0 =	ssub.s32 $0x2, s0;
	vm0 =	vlt.u32 v10, $0x19;
	[tilespmem:$0x1FFC0] =	vst v8;
	v10 =	vand.u32 $0xF, v0;
	v4 =	vcombine.low v5, v4  }
0x18: {  	s26 =	simm.s32 $0x0;
	s8 =	sshrl.u32 s0, $0x1;
	s3 =	sshrl.u32 s3, $0x3;
	v3 =	vunpack.c.0.s8.s32 v3;
	v11 =	vand.u32 $0xF, v2;
	[tilespmem:$0x1FFD0] =	vst v10  }
0x19: {  	s6 =	sadd.s32 $0x800, s31;
	s0 =	ssub.s32 s0, s8;
	v63 =	vand.u32 $0xF, v62;
	s3 =	sadd.s32 s3, s31;
	[tilespmem:$0x1FFE0] =	vst v11;
	v56 =	vand.u32 $0xF, v4  }
0x1a: {  	s7 =	sadd.s32 $0x1600, s31;
	s9 =	smax.u32 s0, $0x1;
	s8 =	sadd.s32 $0x600, s3;
	vm1 =	vlt.u32 v8, $0x19;
	v54 =	vcombine.low v63, v3;
	[tilespmem:$0x1FFF0] =	vst v56  }
.LBB2_1:
0x1b: {  	[tilespmem:s5], [sflag:$0x5] =	stream.linear.gather [hbm4b:s8+s5], $0x20, $0x38;
	[tilespmem:$0x4700] =	vst v63  }
0x1c: {  	_ =	swait.ge [sflag:s10], $0x20  }
0x1d: {  	[sflag:s10] =	ssyncset.done $0x0  }
0x1e: {  	v2 =	vld [tilespmem:$0x1FFC0];
	[sflag:s10] =	ssyncadd.s32 $0xFFFFFFE0  }
0x1f: {  	v0 =	vld [tilespmem:$0x0]  }
0x20: {  	v1 =	vld [tilespmem:$0x1FF60];
	_ =	sdelay $0x3  }
0x21: {  	vm2 =	vgt.s32 v0, $0x1869F  }
0x22: {  	v0 =	vsel vm2, v1, v0  }
0x23: {  	v4 =	vld [tilespmem:$0x1FFB0];
	[tilespmem:v2+s11+$0x0] =	vst.idx.msk vm1, v0  }
0x24: {  	v0 =	vld [tilespmem:$0x10]  }
0x25: {  	v3 =	vld [tilespmem:$0x1FF90];
	_ =	sdelay $0x3  }
0x26: {  	vm2 =	vgt.s32 v0, $0x1869F  }
0x27: {  	v0 =	vsel vm2, v3, v0  }
0x28: {  	s0 =	rddreg [dreg:$0x0];
	[tilespmem:v4+s11+$0x0] =	vst.idx.msk vm0, v0  }
0x29: {  	v5 =	vld [tilespmem:$0x1FF50];
	[tilespmem:s13], [sflag:$0x1] =	stream.indirect.gather [hbm4b:s0+s12], $0x80, s11, s12, $0xb8  }
0x2a: {  	v0 =	vld [tilespmem:$0x0]  }
0x2b: {  	v48 =	vld [tilespmem:$0x1FF70];
	_ =	sdelay $0x3  }
0x2c: {  	vm2 =	vgt.s32 v0, $0x1869F;
	v0 =	vadd.s32 v0, v5  }
0x2d: {  	v0 =	vsel vm2, v0, v48  }
0x2e: {  	v49 =	vimm.f32 $0.0e+00;
	[tilespmem:v2+s14+$0x0] =	vst.idx.msk vm1, v0  }
0x2f: {  	v50 =	vsel vm2, $0x3F800000, v49;
	[tilespmem:v2+s15+$0x0] =	vst.idx.msk vm1, v48  }
0x30: {  	[tilespmem:v2+s16+$0x0] =	vst.idx.msk vm1, v50  }
0x31: {  	v51 =	vld [tilespmem:$0x1FF80];
	[tilespmem:v2+s17+$0x0] =	vst.idx.msk vm1, v1  }
0x32: {  	v0 =	vld [tilespmem:$0x10]  }
0x33: {  	v52 =	vld [tilespmem:$0x1FFA0];
	_ =	sdelay $0x3  }
0x34: {  	vm2 =	vgt.s32 v0, $0x1869F;
	v0 =	vadd.s32 v0, v51  }
0x35: {  	v0 =	vsel vm2, v0, v52  }
0x36: {  	[tilespmem:v4+s14+$0x0] =	vst.idx.msk vm0, v0  }
0x37: {  	v53 =	vsel vm2, $0x3F800000, v49;
	[tilespmem:v4+s15+$0x0] =	vst.idx.msk vm0, v52  }
0x38: {  	[tilespmem:v4+s16+$0x0] =	vst.idx.msk vm0, v53  }
0x39: {  	[tilespmem:v4+s17+$0x0] =	vst.idx.msk vm0, v3  }
0x3a: {  	[tilespmem:s18], [sflag:$0x2] =	stream.indirect.gather [hbm4b:s6+s12], $0x80, s14, s12, $0xb8;
	[tilespmem:$0x4700] =	vst v63  }
0x3b: {  	s3 =	rddreg [dreg:$0x2]  }
0x3c: {  	[tilespmem:s19], [sflag:$0x3] =	stream.indirect.gather [hbm4b:s3+s12], $0x80, s15, s12, $0xb8;
	[tilespmem:$0x4700] =	vst v63  }
0x3d: {  	_ = 	snop  }
0x3e: {  	[tilespmem:s20], [sflag:$0x5] =	stream.linear.gather [hbm4b:s7+s5], $0x400, $0x38;
	[tilespmem:$0x4700] =	vst v63  }
0x3f: {  	_ =	swait.ge [sflag:s10], $0x400  }
0x40: {  	[sflag:s10] =	ssyncset.done $0x0  }
0x41: {  	[sflag:s10] =	ssyncadd.s32 $0xFFFFFC00  }
0x42: {  	_ =	swait.ge [sflag:s21], $0xC80  }
0x43: {  	[sflag:s21] =	ssyncset.done $0x0  }
0x44: {  	[sflag:s21] =	ssyncadd.s32 $0xFFFFF380  }
0x45: {  	_ =	swait.ge [sflag:s22], $0xC80  }
0x46: {  	[sflag:s22] =	ssyncset.done $0x0  }
0x47: {  	[sflag:s22] =	ssyncadd.s32 $0xFFFFF380  }
0x48: {  	_ =	swait.ge [sflag:s23], $0xC80  }
0x49: {  	[sflag:s23] =	ssyncset.done $0x0  }
0x4a: {  	[sflag:s23] =	ssyncadd.s32 $0xFFFFF380  }
0x4b: {  	v55 =	vld [tilespmem:$0x3580]  }
0x4c: {  	v57 =	vld [tilespmem:$0x3590]  }
0x4d: {  	v58 =	vld [tilespmem:$0x35A0]  }
0x4e: {  	v59 =	vld [tilespmem:$0x35B0]  }
0x4f: {  	v60 =	vld [tilespmem:$0x35C0]  }
0x50: {  	v61 =	vld [tilespmem:$0x35D0];
	[tilespmem:$0x1FED0] =	vst v55  }
0x51: {  	v62 =	vld [tilespmem:$0x35E0];
	[tilespmem:$0x1FEE0] =	vst v57  }
0x52: {  	v63 =	vld [tilespmem:$0x35F0];
	[tilespmem:$0x1FEF0] =	vst v58  }
0x53: {  	[tilespmem:$0x1FF00] =	vst v59  }
0x54: {  	[tilespmem:$0x1FF10] =	vst v60  }
0x55: {  	[tilespmem:$0x1FF20] =	vst v61  }
0x56: {  	s28 =	simm.s32 $0x10;
	s29 =	simm.s32 $0x37C0;
	s30 =	simm.s32 $0x23C0;
	[tilespmem:$0x1FF30] =	vst v62  }
0x57: {  	s31 =	simm.s32 $0x13C0;
	s0 =	simm.s32 $0xFFFFFFFB;
	s3 =	simm.s32 $0x3C0;
	[tilespmem:$0x1FF40] =	vst v63  }
.LBB2_2:
0x58: {  	v1 =	vld [tilespmem:s3+$0xFFFFFEC0]  }
0x59: {  	v2 =	vld [tilespmem:s31+$0xFFFFFEC0]  }
0x5a: {  	v3 =	vld [tilespmem:s3+$0xFFFFFED0]  }
0x5b: {  	v4 =	vld [tilespmem:s31+$0xFFFFFED0]  }
0x5c: {  	v41 =	vld [tilespmem:s30+$0xFFFFFEC0]  }
0x5d: {  	v6 =	vld [tilespmem:s3+$0xFFFFFEE0]  }
0x5e: {  	v7 =	vld [tilespmem:s31+$0xFFFFFEE0]  }
0x5f: {  	v8 =	vld [tilespmem:s30+$0xFFFFFED0]  }
0x60: {  	v33 =	vld [tilespmem:$0x1FEE0]  }
0x61: {  	v14 =	vld [tilespmem:s3+$0xFFFFFF00]  }
0x62: {  	v17 =	vld [tilespmem:s31+$0xFFFFFF00]  }
0x63: {  	v18 =	vld [tilespmem:s30+$0xFFFFFEF0]  }
0x64: {  	v50 =	vld [tilespmem:s3+$0xFFFFFF10]  }
0x65: {  	v19 =	vld [tilespmem:s31+$0xFFFFFF10]  }
0x66: {  	v20 =	vld [tilespmem:s30+$0xFFFFFF00]  }
0x67: {  	s1 =	sadd.s32 $0xFFFFFFF0, s28;
	v53 =	vld [tilespmem:$0x1FF00]  }
0x68: {  	v59 =	vld [tilespmem:s3+$0xFFFFFF20];
	s1 =	sand.u32 $0x40, s1  }
0x69: {  	v34 =	vld [tilespmem:s31+$0xFFFFFF20];
	s1 =	sshrl.u32 s1, $0x2  }
0x6a: {  	v0 =	vld [tilespmem:s1+$0x200]  }
0x6b: {  	v39 =	vld [tilespmem:s3+$0xFFFFFF30]  }
0x6c: {  	v12 =	vld [tilespmem:$0x1FF10]  }
0x6d: {  	v26 =	vld [tilespmem:s31+$0xFFFFFF30];
	s1 =	sadd.s32 $0x5, s0  }
0x6e: {  	v43 =	vld [tilespmem:s3+$0xFFFFFEF0];
	v5 =	vmov s1;
	v40 =	vsub.f32 v2, v1;
	v4 =	vsub.f32 v4, v3  }
0x6f: {  	v52 =	vld [tilespmem:$0x1FED0];
	v47 =	vsub.f32 v7, v6;
	v23 =	vadd.f32 v8, v33;
	v21 =	vperm.xlane v0, v5  }
0x70: {  	v46 =	vld [tilespmem:s31+$0xFFFFFEF0];
	v17 =	vsub.f32 v17, v14;
	v7 =	vadd.f32 v18, v53  }
0x71: {  	v32 =	vsub.f32 v19, v50;
	v29 =	vadd.f32 v20, v12;
	v0 =	vmul.f32 v40, v21  }
0x72: {  	v19 =	vsub.f32 v34, v59;
	v44 =	vsub.f32 v26, v39;
	v42 =	vmul.f32 v4, v21  }
0x73: {  	v5 =	vmul.f32 v47, v21;
	v58 =	vmul.f32 v17, v21;
	v2 =	vadd.f32 v0, v1  }
0x74: {  	v18 =	vmul.f32 v32, v21;
	v22 =	vadd.f32 v42, v3;
	v3 =	vadd.f32 v41, v52  }
0x75: {  	v48 =	vld [tilespmem:s30+$0xFFFFFEE0];
	v49 =	vmul.f32 v23, v23;
	v16 =	vadd.f32 v5, v6;
	v0 =	vsub.f32 v46, v43  }
0x76: {  	v19 =	vmul.f32 v19, v21;
	v46 =	vld [tilespmem:$0x1FEF0];
	v37 =	vadd.f32 v58, v14;
	v62 =	vadd.f32 v18, v50  }
0x77: {  	v45 =	vadd.f32 $0.0e+00, v2;
	v9 =	vmul.f32 v2, v2;
	v13 =	vmul.f32 v22, v22  }
0x78: {  	v25 =	vld [tilespmem:s30+$0xFFFFFF10];
	v58 =	vadd.f32 v19, v59;
	v8 =	vadd.f32 $0.0e+00, v3;
	v15 =	vmul.f32 v3, v3  }
0x79: {  	v47 =	vld [tilespmem:$0x1FF20];
	v0 =	vmul.f32 v0, v21;
	v4 =	vadd.f32 v22, v45;
	v9 =	vadd.f32 v13, v9  }
0x7a: {  	v5 =	vld [tilespmem:$0x1FF40];
	v55 =	vadd.f32 v23, v8;
	v13 =	vadd.f32 v49, v15;
	v8 =	vmul.f32 v16, v16  }
0x7b: {  	v59 =	vmul.f32 v44, v21;
	v45 =	vld [tilespmem:s30+$0xFFFFFF30];
	v15 =	vadd.f32 v48, v46;
	v4 =	vadd.f32 v16, v4  }
0x7c: {  	v49 =	vld [tilespmem:$0x1FF30];
	v9 =	vadd.f32 v8, v9;
	v8 =	vadd.f32 v0, v43  }
0x7d: {  	v63 =	vadd.f32 v59, v39;
	v43 =	vld [tilespmem:s30+$0xFFFFFF20];
	v24 =	vmul.f32 v15, v15;
	v57 =	vadd.f32 v15, v55  }
0x7e: {  	v6 =	vadd.f32 v25, v47;
	v31 =	vmul.f32 v8, v8;
	v4 =	vadd.f32 v8, v4  }
0x7f: {  	v35 =	vmul.f32 v7, v7;
	v30 =	vadd.f32 v24, v13;
	v40 =	vadd.f32 v7, v57  }
0x80: {  	v1 =	vadd.f32 v45, v5;
	v9 =	vadd.f32 v31, v9  }
0x81: {  	v41 =	vmul.f32 v37, v37;
	v4 =	vadd.f32 v37, v4;
	v24 =	vadd.f32 v35, v30  }
0x82: {  	v42 =	vmul.f32 v29, v29;
	v13 =	vadd.f32 v29, v40;
	v60 =	vadd.f32 v43, v49  }
0x83: {  	v27 =	vmul.f32 v62, v62;
	v9 =	vadd.f32 v41, v9;
	v55 =	vadd.f32 v62, v4  }
0x84: {  	v57 =	vmul.f32 v6, v6;
	v18 =	vadd.f32 v42, v24;
	v13 =	vadd.f32 v6, v13  }
0x85: {  	v61 =	vmul.f32 v58, v58;
	v9 =	vadd.f32 v27, v9;
	v19 =	vadd.f32 v58, v55  }
0x86: {  	v0 =	vmul.f32 v60, v60;
	v18 =	vadd.f32 v57, v18;
	v13 =	vadd.f32 v60, v13  }
0x87: {  	v4 =	vmul.f32 v63, v63;
	v9 =	vadd.f32 v61, v9;
	v17 =	vadd.f32 v63, v19  }
0x88: {  	v24 =	vmul.f32 v1, v1;
	v14 =	vadd.f32 v0, v18;
	v13 =	vadd.f32 v1, v13  }
0x89: {  	v9 =	vadd.f32 v4, v9;
	v25 =	vperm.xlane v17, v10  }
0x8a: {  	v14 =	vadd.f32 v24, v14;
	v26 =	vperm.xlane v13, v10  }
0x8b: {  	v17 =	vadd.f32 v17, v25;
	v27 =	vperm.xlane v9, v10  }
0x8c: {  	v13 =	vadd.f32 v26, v13;
	v28 =	vperm.xlane v14, v10  }
0x8d: {  	v30 =	vperm.xlane v17, v11;
	v9 =	vadd.f32 v27, v9  }
0x8e: {  	v31 =	vperm.xlane v13, v11;
	v14 =	vadd.f32 v28, v14  }
0x8f: {  	v17 =	vadd.f32 v17, v30;
	v32 =	vperm.xlane v9, v11  }
0x90: {  	v13 =	vadd.f32 v31, v13;
	v34 =	vperm.xlane v14, v11  }
0x91: {  	v20 =	vperm.xlane v17, v56;
	v9 =	vadd.f32 v32, v9  }
0x92: {  	v35 =	vperm.xlane v13, v56;
	v14 =	vadd.f32 v34, v14  }
0x93: {  	v17 =	vadd.f32 v17, v20;
	v36 =	vperm.xlane v9, v56  }
0x94: {  	v13 =	vadd.f32 v35, v13;
	v38 =	vperm.xlane v14, v56  }
0x95: {  	v20 =	vperm.xlane v17, v54;
	v9 =	vadd.f32 v36, v9  }
0x96: {  	v39 =	vperm.xlane v13, v54;
	v14 =	vadd.f32 v38, v14  }
0x97: {  	v17 =	vadd.f32 v17, v20;
	v40 =	vperm.xlane v9, v54  }
0x98: {  	v13 =	vadd.f32 v39, v13;
	v41 =	vperm.xlane v14, v54  }
0x99: {  	[tilespmem:$0x1FC40] =	vst v60;
	v60 =	vmul.f32 $7.812500000e-03, v17;
	v9 =	vadd.f32 v40, v9  }
0x9a: {  	v57 =	vmul.f32 $7.812500000e-03, v13;
	v42 =	vadd.f32 v41, v14  }
0x9b: {  	v9 =	vmul.f32 $7.812500000e-03, v9;
	v43 =	vmul.f32 v60, v60  }
0x9c: {  	v13 =	vmul.f32 $7.812500000e-03, v42;
	v44 =	vmul.f32 v57, v57  }
0x9d: {  	v9 =	vsub.f32 v9, v43  }
0x9e: {  	v13 =	vsub.f32 v13, v44  }
0x9f: {  	v9 =	vadd.f32 $9.999999740e-06, v9  }
0xa0: {  	v13 =	vadd.f32 $9.999999740e-06, v13  }
0xa1: {  	v45 =	vshra.s32 v9, $0x1;
	v9 =	vmul.f32 $5.000000000e-01, v9  }
0xa2: {  	v14 =	vsub.s32 $0x5F3759DF, v45;
	v48 =	vshra.s32 v13, $0x1;
	v13 =	vmul.f32 $5.000000000e-01, v13  }
0xa3: {  	v50 =	vmul.f32 v14, v9;
	v17 =	vsub.s32 $0x5F3759DF, v48  }
0xa4: {  	v51 =	vmul.f32 v17, v13  }
0xa5: {  	v18 =	vmul.f32 v14, v50  }
0xa6: {  	v19 =	vmul.f32 v17, v51  }
0xa7: {  	v18 =	vsub.f32 $1.500000000e+00, v18  }
0xa8: {  	v19 =	vsub.f32 $1.500000000e+00, v19  }
0xa9: {  	v14 =	vmul.f32 v14, v18  }
0xaa: {  	v17 =	vmul.f32 v17, v19  }
0xab: {  	v18 =	vmul.f32 v14, v9  }
0xac: {  	v19 =	vmul.f32 v17, v13  }
0xad: {  	v18 =	vmul.f32 v18, v14  }
0xae: {  	v19 =	vmul.f32 v19, v17  }
0xaf: {  	v55 =	vld [tilespmem:$0x3300];
	v18 =	vsub.f32 $1.500000000e+00, v18  }
0xb0: {  	v61 =	vld [tilespmem:$0x3280];
	v19 =	vsub.f32 $1.500000000e+00, v19  }
0xb1: {  	[tilespmem:$0x1FDF0] =	vst v63;
	v63 =	vld [tilespmem:$0x3380];
	v14 =	vmul.f32 v18, v14  }
0xb2: {  	s2 =	sadd.s32 $0xFFFFFFF4, s28;
	v28 =	vld [tilespmem:$0x3400];
	v17 =	vmul.f32 v19, v17  }
0xb3: {  	s2 =	sand.u32 $0xC0, s2;
	v32 =	vld [tilespmem:s3+$0xFFFFFF40];
	v9 =	vmul.f32 v14, v9  }
0xb4: {  	s2 =	sshrl.u32 s2, $0x2;
	v34 =	vld [tilespmem:s31+$0xFFFFFF40];
	v13 =	vmul.f32 v17, v13  }
0xb5: {  	v31 =	vld [tilespmem:s2+$0x200];
	v9 =	vmul.f32 v9, v14  }
0xb6: {  	v42 =	vld [tilespmem:s30+$0xFFFFFF40];
	v13 =	vmul.f32 v13, v17  }
0xb7: {  	v30 =	vld [tilespmem:$0x3480];
	s2 =	sadd.s32 $0x6, s0;
	v9 =	vsub.f32 $1.500000000e+00, v9  }
0xb8: {  	v38 =	vmul.f32 v28, v21;
	v40 =	vmov s2;
	v44 =	vld [tilespmem:s30+$0xFFFFFF50];
	v13 =	vsub.f32 $1.500000000e+00, v13  }
0xb9: {  	v35 =	vld [tilespmem:s3+$0xFFFFFF50];
	v41 =	vsub.f32 v34, v32;
	v2 =	vsub.f32 v2, v60;
	v59 =	vmul.f32 v9, v14  }
0xba: {  	[tilespmem:$0x1FC30] =	vst v58;
	v36 =	vld [tilespmem:s31+$0xFFFFFF50];
	v3 =	vsub.f32 v3, v57;
	v9 =	vmul.f32 v63, v21;
	v58 =	vmul.f32 v13, v17  }
0xbb: {  	v39 =	vld [tilespmem:$0x3500];
	v26 =	vperm.xlane v31, v40;
	v22 =	vsub.f32 v22, v60;
	v24 =	vadd.f32 v42, v52  }
0xbc: {  	v27 =	vld [tilespmem:s30+$0xFFFFFF60];
	v9 =	vadd.f32 v9, v61;
	v2 =	vmul.f32 v59, v2;
	v3 =	vmul.f32 v58, v3  }
0xbd: {  	v43 =	vld [tilespmem:s31+$0xFFFFFF60];
	v20 =	vadd.f32 v44, v33;
	v50 =	vadd.f32 $0.0e+00, v24;
	v18 =	vmul.f32 v41, v26  }
0xbe: {  	v17 =	vadd.f32 v38, v55;
	v2 =	vmul.f32 v2, v9;
	v9 =	vld [tilespmem:s3+$0xFFFFFF60];
	v3 =	vmul.f32 v3, v30  }
0xbf: {  	v25 =	vadd.f32 v18, v32;
	v32 =	vld [tilespmem:s3+$0xFFFFFF80];
	v13 =	vsub.f32 v36, v35  }
0xc0: {  	v36 =	vld [tilespmem:s31+$0xFFFFFF80];
	v2 =	vadd.f32 v2, v17;
	v3 =	vadd.f32 v3, v39  }
0xc1: {  	v23 =	vsub.f32 v23, v57;
	v45 =	vld [tilespmem:s31+$0xFFFFFF70];
	v34 =	vmul.f32 v24, v24;
	v51 =	vmul.f32 v20, v20  }
0xc2: {  	v4 =	vadd.f32 v20, v50;
	v13 =	vmul.f32 v13, v26;
	v2 =	vadd.f32 v3, v2;
	v3 =	vld [tilespmem:s3+$0xFFFFFF70]  }
0xc3: {  	[tilespmem:$0x1FCE0] =	vst v55;
	v44 =	vadd.f32 v51, v34;
	v55 =	vld [tilespmem:s30+$0xFFFFFF70];
	v48 =	vsub.f32 v43, v9  }
0xc4: {  	v18 =	vadd.f32 $0.0e+00, v25;
	v19 =	vadd.f32 v13, v35  }
0xc5: {  	[tilespmem:$0x1FCF0] =	vst v30;
	v30 =	vmul.f32 v25, v25;
	v36 =	vsub.f32 v36, v32;
	v14 =	vmul.f32 v48, v26  }
0xc6: {  	[tilespmem:$0x1FD00] =	vst v39;
	v31 =	vmul.f32 v19, v19;
	v38 =	vadd.f32 v19, v18;
	v39 =	vld [tilespmem:s3+$0xFFFFFF90];
	v18 =	vadd.f32 v27, v46  }
0xc7: {  	v17 =	vadd.f32 v14, v9;
	v9 =	vsub.f32 v45, v3;
	v45 =	vld [tilespmem:s31+$0xFFFFFF90]  }
0xc8: {  	[tilespmem:$0x1FCD0] =	vst v28;
	v30 =	vadd.f32 v31, v30;
	v41 =	vmul.f32 v18, v18;
	v31 =	vld [tilespmem:s3+$0xFFFFFFA0];
	v14 =	vadd.f32 v55, v53  }
0xc9: {  	[tilespmem:s29+$0xFFFFFEC0] =	vst v2;
	v55 =	vmul.f32 v36, v26;
	v50 =	vadd.f32 v17, v38;
	v38 =	vld [tilespmem:s30+$0xFFFFFF80];
	v9 =	vmul.f32 v9, v26  }
0xca: {  	v28 =	vmovc v33;
	v51 =	vadd.f32 v18, v4;
	v33 =	vadd.f32 v41, v44;
	v40 =	vld [tilespmem:$0x3390];
	v48 =	vmul.f32 v17, v17  }
0xcb: {  	v35 =	vadd.f32 v55, v32;
	v13 =	vadd.f32 v9, v3;
	v9 =	vld [tilespmem:s30+$0xFFFFFF90]  }
0xcc: {  	v42 =	vmul.f32 v14, v14;
	v30 =	vadd.f32 v48, v30;
	v34 =	vsub.f32 v45, v39;
	v45 =	vld [tilespmem:s31+$0xFFFFFFA0]  }
0xcd: {  	v43 =	vld [tilespmem:s31+$0xFFFFFFB0];
	v48 =	vadd.f32 v14, v51;
	v4 =	vmul.f32 v13, v13;
	v27 =	vadd.f32 v13, v50  }
0xce: {  	v2 =	vmovc v12;
	v32 =	vld [tilespmem:s3+$0xFFFFFFB0];
	v33 =	vadd.f32 v42, v33;
	v12 =	vadd.f32 v38, v12;
	v34 =	vmul.f32 v34, v26  }
0xcf: {  	v50 =	vmul.f32 v35, v35;
	v30 =	vadd.f32 v4, v30;
	v27 =	vadd.f32 v35, v27  }
0xd0: {  	[tilespmem:$0x1FE10] =	vst v1;
	v41 =	vld [tilespmem:s30+$0xFFFFFFA0];
	v51 =	vmul.f32 v12, v12;
	v36 =	vadd.f32 v12, v48;
	v1 =	vadd.f32 v34, v39  }
0xd1: {  	v38 =	vmul.f32 v40, v21;
	v40 =	vld [tilespmem:$0x3410];
	v48 =	vadd.f32 v9, v47;
	v55 =	vsub.f32 v45, v31  }
0xd2: {  	v30 =	vadd.f32 v50, v30;
	v9 =	vadd.f32 v51, v33  }
0xd3: {  	v39 =	vld [tilespmem:s30+$0xFFFFFFB0];
	v51 =	vsub.f32 v43, v32;
	v45 =	vmul.f32 v1, v1;
	v50 =	vmul.f32 v55, v26  }
0xd4: {  	[tilespmem:$0x1FC50] =	vst v1;
	v27 =	vadd.f32 v1, v27;
	v36 =	vadd.f32 v48, v36;
	v55 =	vmul.f32 v48, v48  }
0xd5: {  	[tilespmem:$0x1FC60] =	vst v48;
	v1 =	vmul.f32 v51, v26;
	v48 =	vadd.f32 v41, v49;
	v0 =	vadd.f32 v50, v31  }
0xd6: {  	v30 =	vadd.f32 v45, v30;
	v45 =	vmul.f32 v40, v21;
	v9 =	vadd.f32 v55, v9  }
0xd7: {  	v50 =	vld [tilespmem:$0x3310];
	v55 =	vadd.f32 v1, v32;
	v27 =	vadd.f32 v0, v27;
	v51 =	vmul.f32 v0, v0  }
0xd8: {  	v33 =	vld [tilespmem:$0x3290];
	v1 =	vmul.f32 v48, v48;
	v39 =	vadd.f32 v39, v5;
	[tilespmem:$0x1FD30] =	vst v0;
	v0 =	vadd.f32 v48, v36  }
0xd9: {  	v42 =	vmul.f32 v55, v55;
	v30 =	vadd.f32 v51, v30;
	v27 =	vadd.f32 v55, v27  }
0xda: {  	v9 =	vadd.f32 v1, v9;
	v43 =	vmul.f32 v39, v39;
	v31 =	vadd.f32 v39, v0  }
0xdb: {  	v22 =	vmul.f32 v59, v22;
	v3 =	vmovc v47;
	v47 =	vld [tilespmem:$0x3490];
	v30 =	vadd.f32 v42, v30;
	v44 =	vperm.xlane v27, v10  }
0xdc: {  	v9 =	vadd.f32 v43, v9;
	v34 =	vadd.f32 v45, v50;
	v45 =	vperm.xlane v31, v10  }
0xdd: {  	[tilespmem:$0x1FD40] =	vst v48;
	v33 =	vadd.f32 v38, v33;
	v50 =	vld [tilespmem:$0x3510];
	v27 =	vadd.f32 v27, v44;
	v48 =	vperm.xlane v30, v10  }
0xde: {  	v23 =	vmul.f32 v58, v23;
	v4 =	vmovc v49;
	v49 =	vperm.xlane v9, v10;
	v31 =	vadd.f32 v45, v31  }
0xdf: {  	v22 =	vmul.f32 v22, v33;
	v51 =	vperm.xlane v27, v11;
	v30 =	vadd.f32 v48, v30  }
0xe0: {  	v23 =	vmul.f32 v23, v47;
	[tilespmem:$0x1FE70] =	vst v55;
	v9 =	vadd.f32 v49, v9;
	v55 =	vperm.xlane v31, v11  }
0xe1: {  	v22 =	vadd.f32 v22, v34;
	v27 =	vadd.f32 v27, v51;
	v0 =	vperm.xlane v30, v11  }
0xe2: {  	v1 =	vperm.xlane v9, v11;
	v23 =	vadd.f32 v23, v50;
	v31 =	vadd.f32 v55, v31  }
0xe3: {  	v36 =	vperm.xlane v27, v56;
	v30 =	vadd.f32 v0, v30  }
0xe4: {  	v9 =	vadd.f32 v1, v9;
	v22 =	vadd.f32 v23, v22;
	v38 =	vperm.xlane v31, v56  }
0xe5: {  	[tilespmem:$0x1FE80] =	vst v39;
	v27 =	vadd.f32 v27, v36;
	v39 =	vperm.xlane v30, v56  }
0xe6: {  	v41 =	vperm.xlane v9, v56;
	[tilespmem:s29+$0xFFFFFED0] =	vst v22;
	v40 =	vadd.f32 v38, v31  }
0xe7: {  	v47 =	vld [tilespmem:$0x33A0];
	v42 =	vperm.xlane v27, v54;
	v30 =	vadd.f32 v39, v30  }
0xe8: {  	v9 =	vadd.f32 v41, v9;
	v43 =	vperm.xlane v40, v54  }
0xe9: {  	v44 =	vld [tilespmem:$0x32A0];
	v27 =	vadd.f32 v27, v42;
	v45 =	vperm.xlane v30, v54  }
0xea: {  	v51 =	vld [tilespmem:$0x3420];
	v50 =	vperm.xlane v9, v54;
	v22 =	vadd.f32 v43, v40  }
0xeb: {  	v0 =	vld [tilespmem:$0x3320];
	v32 =	vmul.f32 $7.812500000e-03, v27;
	v55 =	vadd.f32 v45, v30  }
0xec: {  	v1 =	vld [tilespmem:$0x34A0];
	v9 =	vadd.f32 v50, v9;
	v34 =	vmul.f32 v47, v21;
	v31 =	vmul.f32 $7.812500000e-03, v22  }
0xed: {  	v38 =	vld [tilespmem:$0x3520];
	v48 =	vmul.f32 $7.812500000e-03, v55;
	v49 =	vmul.f32 v32, v32  }
0xee: {  	v15 =	vsub.f32 v15, v57;
	v39 =	vld [tilespmem:s3+$0xFFFFFFC0];
	v9 =	vmul.f32 $7.812500000e-03, v9;
	v50 =	vmul.f32 v31, v31  }
0xef: {  	s2 =	sadd.s32 $0xFFFFFFF8, s28;
	v16 =	vsub.f32 v16, v60;
	v40 =	vld [tilespmem:s3+$0xFFFFFFD0];
	v23 =	vsub.f32 v48, v49  }
0xf0: {  	s2 =	sand.u32 $0xC0, s2;
	v15 =	vmul.f32 v58, v15;
	v33 =	vadd.f32 v34, v44;
	v34 =	vld [tilespmem:s31+$0xFFFFFFC0];
	v9 =	vsub.f32 v9, v50  }
0xf1: {  	s2 =	sshrl.u32 s2, $0x2;
	v16 =	vmul.f32 v59, v16;
	v47 =	vld [tilespmem:s3+$0xFFFFFFE0];
	v23 =	vadd.f32 $9.999999740e-06, v23  }
0xf2: {  	v36 =	vmul.f32 v51, v21;
	v15 =	vmul.f32 v15, v1;
	v27 =	vld [tilespmem:s2+$0x200];
	v9 =	vadd.f32 $9.999999740e-06, v9  }
0xf3: {  	v22 =	vld [tilespmem:s31+$0xFFFFFFE0];
	v16 =	vmul.f32 v33, v16;
	v51 =	vshra.s32 v23, $0x1;
	v41 =	vmul.f32 $5.000000000e-01, v23  }
0xf4: {  	v55 =	vshra.s32 v9, $0x1;
	v42 =	vmul.f32 $5.000000000e-01, v9;
	v9 =	vld [tilespmem:s31+$0xFFFFFFD0];
	v43 =	vsub.s32 $0x5F3759DF, v51  }
0xf5: {  	v23 =	vsub.s32 $0x5F3759DF, v55;
	v51 =	vsub.f32 v34, v39;
	v34 =	vld [tilespmem:s3+$0xFFFFFFF0];
	v33 =	vmul.f32 v43, v41  }
0xf6: {  	v30 =	vadd.f32 v36, v0;
	s2 =	sadd.s32 $0x7, s0;
	v55 =	vld [tilespmem:s31+$0xFFFFFFF0];
	v45 =	vmul.f32 v23, v42  }
0xf7: {  	v36 =	vld [tilespmem:s30+$0xFFFFFFC0];
	v15 =	vadd.f32 v15, v38;
	v1 =	vmov s2;
	v0 =	vmul.f32 v43, v33  }
0xf8: {  	v44 =	vld [tilespmem:s30+$0xFFFFFFD0];
	v16 =	vadd.f32 v30, v16;
	v45 =	vmul.f32 v23, v45;
	v33 =	vperm.xlane v27, v1  }
0xf9: {  	v1 =	vsub.f32 v22, v47;
	v9 =	vsub.f32 v9, v40  }
0xfa: {  	v48 =	vld [tilespmem:s30+$0xFFFFFFE0];
	v30 =	vsub.f32 $1.500000000e+00, v0;
	v45 =	vsub.f32 $1.500000000e+00, v45;
	v27 =	vmul.f32 v51, v33  }
0xfb: {  	v50 =	vld [tilespmem:s3+$0x0];
	v51 =	vadd.f32 v15, v16;
	v38 =	vsub.f32 v55, v34  }
0xfc: {  	v22 =	vld [tilespmem:s31+$0x0];
	v0 =	vmul.f32 v9, v33;
	v30 =	vmul.f32 v43, v30;
	v9 =	vadd.f32 v27, v39  }
0xfd: {  	v43 =	vmul.f32 v23, v45;
	v39 =	vld [tilespmem:s3+$0x10];
	v27 =	vadd.f32 v36, v52;
	v23 =	vadd.f32 v44, v28  }
0xfe: {  	v16 =	vmul.f32 v1, v33;
	v36 =	vld [tilespmem:s31+$0x10];
	v38 =	vmul.f32 v38, v33;
	v15 =	vadd.f32 v0, v40  }
0xff: {  	v45 =	vld [tilespmem:s30+$0xFFFFFFF0];
	v0 =	vmul.f32 v27, v27;
	v1 =	vmul.f32 v23, v23  }
0x100: {  	v16 =	vadd.f32 v16, v47;
	v40 =	vmul.f32 v9, v9;
	v28 =	vmul.f32 v15, v15  }
0x101: {  	v47 =	vld [tilespmem:s30+$0x0];
	v44 =	vsub.f32 v22, v50;
	v49 =	vadd.f32 v1, v0  }
0x102: {  	v0 =	vadd.f32 v38, v34;
	v40 =	vadd.f32 v28, v40;
	v28 =	vmul.f32 v16, v16  }
0x103: {  	v22 =	vadd.f32 v48, v46;
	v1 =	vmul.f32 v44, v33;
	v38 =	vld [tilespmem:s30+$0x10];
	v36 =	vsub.f32 v36, v39  }
0x104: {  	[tilespmem:s29+$0xFFFFFEE0] =	vst v51;
	v52 =	vmov v0;
	v40 =	vadd.f32 v28, v40;
	v28 =	vadd.f32 v45, v53  }
0x105: {  	v44 =	vld [tilespmem:$0x33B0];
	[tilespmem:$0x1FC80] =	vst v0;
	v45 =	vmul.f32 v0, v0;
	v0 =	vadd.f32 v1, v50;
	v34 =	vmul.f32 v36, v33  }
0x106: {  	v48 =	vmul.f32 v22, v22;
	v55 =	vadd.f32 v47, v2;
	v36 =	vld [tilespmem:$0x32B0]  }
0x107: {  	v50 =	vmul.f32 v0, v0;
	v2 =	vmov v0;
	[tilespmem:$0x1FD10] =	vst v0;
	v0 =	vadd.f32 v34, v39;
	v34 =	vld [tilespmem:s3+$0x20]  }
0x108: {  	v48 =	vadd.f32 v48, v49;
	v49 =	vmul.f32 v28, v28;
	v1 =	vadd.f32 v38, v3;
	v38 =	vld [tilespmem:s31+$0x20]  }
0x109: {  	v25 =	vsub.f32 v25, v32;
	v40 =	vadd.f32 v45, v40;
	v45 =	vld [tilespmem:s31+$0x30]  }
0x10a: {  	v47 =	vmul.f32 v55, v55;
	v44 =	vmul.f32 v44, v21;
	v51 =	vadd.f32 v49, v48;
	v49 =	vld [tilespmem:s3+$0x30]  }
0x10b: {  	v40 =	vadd.f32 v50, v40;
	v3 =	vmul.f32 v0, v0;
	v48 =	vmul.f32 v1, v1  }
0x10c: {  	v44 =	vadd.f32 v44, v36;
	v39 =	vadd.f32 v47, v51;
	v47 =	vmul.f32 v30, v41  }
0x10d: {  	v36 =	vadd.f32 v3, v40;
	v3 =	vmul.f32 v43, v42;
	v51 =	vld [tilespmem:s30+$0x20];
	v38 =	vsub.f32 v38, v34  }
0x10e: {  	v39 =	vadd.f32 v48, v39;
	v47 =	vmul.f32 v47, v30;
	v48 =	vadd.f32 $0.0e+00, v9  }
0x10f: {  	v40 =	vmul.f32 v3, v43;
	v3 =	vadd.f32 $0.0e+00, v27;
	v45 =	vsub.f32 v45, v49  }
0x110: {  	v47 =	vsub.f32 $1.500000000e+00, v47;
	v48 =	vadd.f32 v15, v48  }
0x111: {  	v38 =	vmul.f32 v38, v33;
	v40 =	vsub.f32 $1.500000000e+00, v40;
	v50 =	vadd.f32 v23, v3  }
0x112: {  	v51 =	vadd.f32 v51, v4;
	v30 =	vmul.f32 v47, v30;
	v3 =	vadd.f32 v16, v48  }
0x113: {  	v40 =	vmul.f32 v40, v43;
	v48 =	vadd.f32 v38, v34;
	v50 =	vadd.f32 v22, v50  }
0x114: {  	[tilespmem:$0x1FC90] =	vst v28;
	v38 =	vmul.f32 v30, v41;
	v41 =	vadd.f32 v52, v3;
	v3 =	vmul.f32 v45, v33  }
0x115: {  	v4 =	vmul.f32 v51, v51;
	v34 =	vadd.f32 v28, v50;
	v28 =	vmul.f32 v48, v48;
	v52 =	vmovc v48  }
0x116: {  	[tilespmem:$0x1FDA0] =	vst v48;
	v48 =	vadd.f32 v3, v49;
	v38 =	vmul.f32 v38, v30;
	v41 =	vadd.f32 v2, v41;
	v3 =	vld [tilespmem:s30+$0x30]  }
0x117: {  	v42 =	vmul.f32 v40, v42;
	v45 =	vadd.f32 v28, v36;
	v34 =	vadd.f32 v55, v34  }
0x118: {  	v38 =	vsub.f32 $1.500000000e+00, v38;
	v41 =	vadd.f32 v0, v41;
	v28 =	vmul.f32 v48, v48  }
0x119: {  	[tilespmem:$0x1FD60] =	vst v0;
	v39 =	vadd.f32 v4, v39;
	v34 =	vadd.f32 v1, v34;
	v0 =	vmul.f32 v42, v40  }
0x11a: {  	v50 =	vmul.f32 v38, v30;
	v30 =	vadd.f32 v28, v45;
	v49 =	vadd.f32 v52, v41  }
0x11b: {  	[tilespmem:$0x1FD70] =	vst v1;
	v34 =	vadd.f32 v51, v34;
	v1 =	vadd.f32 v3, v5  }
0x11c: {  	v2 =	vmul.f32 v26, v63;
	v41 =	vsub.f32 $1.500000000e+00, v0;
	v38 =	vadd.f32 v48, v49  }
0x11d: {  	v28 =	vperm.xlane v30, v10;
	v34 =	vadd.f32 v1, v34;
	v43 =	vmul.f32 v1, v1  }
0x11e: {  	v3 =	vadd.f32 v2, v61;
	v2 =	vld [tilespmem:$0x1FCD0];
	v25 =	vmul.f32 v50, v25;
	v4 =	vperm.xlane v38, v10  }
0x11f: {  	v52 =	vmovc v5;
	v30 =	vadd.f32 v28, v30;
	v28 =	vld [tilespmem:$0x1FCF0];
	v39 =	vadd.f32 v43, v39;
	v5 =	vperm.xlane v34, v10  }
0x120: {  	v24 =	vsub.f32 v24, v31;
	v42 =	vmul.f32 v41, v40;
	v38 =	vadd.f32 v38, v4;
	v4 =	vld [tilespmem:$0x1FCE0]  }
0x121: {  	v25 =	vmul.f32 v25, v3;
	v3 =	vld [tilespmem:$0x1FD00];
	v34 =	vadd.f32 v5, v34;
	v36 =	vperm.xlane v39, v10  }
0x122: {  	v8 =	vsub.f32 v8, v60;
	v24 =	vmul.f32 v42, v24;
	v47 =	vperm.xlane v38, v11  }
0x123: {  	[tilespmem:$0x1FE90] =	vst v48;
	v45 =	vmul.f32 v26, v2;
	v39 =	vadd.f32 v36, v39;
	v48 =	vperm.xlane v34, v11  }
0x124: {  	v49 =	vperm.xlane v30, v11;
	v24 =	vmul.f32 v24, v28;
	v38 =	vadd.f32 v38, v47  }
0x125: {  	[tilespmem:$0x1FDB0] =	vst v51;
	v41 =	vadd.f32 v45, v4;
	v34 =	vadd.f32 v48, v34;
	v51 =	vperm.xlane v39, v11  }
0x126: {  	[tilespmem:$0x1FD20] =	vst v55;
	v30 =	vadd.f32 v49, v30;
	v24 =	vadd.f32 v24, v3;
	v55 =	vperm.xlane v38, v56  }
0x127: {  	v25 =	vadd.f32 v25, v41;
	v39 =	vadd.f32 v51, v39;
	v45 =	vperm.xlane v34, v56  }
0x128: {  	v7 =	vsub.f32 v7, v57;
	v47 =	vperm.xlane v30, v56;
	v38 =	vadd.f32 v38, v55  }
0x129: {  	v49 =	vld [tilespmem:$0x34B0];
	v24 =	vadd.f32 v24, v25;
	v25 =	vadd.f32 v45, v34;
	v48 =	vperm.xlane v39, v56  }
0x12a: {  	v8 =	vmul.f32 v59, v8;
	v30 =	vadd.f32 v47, v30;
	v34 =	vld [tilespmem:$0x3430];
	v51 =	vperm.xlane v38, v54  }
0x12b: {  	v7 =	vmul.f32 v58, v7;
	v40 =	vld [tilespmem:$0x3330];
	[tilespmem:$0x1FEA0] =	vst v1;
	v39 =	vadd.f32 v48, v39;
	v55 =	vperm.xlane v25, v54  }
0x12c: {  	v19 =	vsub.f32 v19, v32;
	v1 =	vperm.xlane v30, v54;
	v45 =	vld [tilespmem:$0x3530];
	[tilespmem:s29+$0xFFFFFF40] =	vst v24;
	v0 =	vadd.f32 v38, v51  }
0x12d: {  	v8 =	vmul.f32 v44, v8;
	v43 =	vld [tilespmem:$0x3390];
	v25 =	vadd.f32 v55, v25;
	v36 =	vperm.xlane v39, v54  }
0x12e: {  	v7 =	vmul.f32 v49, v7;
	v30 =	vadd.f32 v1, v30;
	v47 =	vmul.f32 $7.812500000e-03, v0  }
0x12f: {  	v34 =	vmul.f32 v34, v21;
	v0 =	vld [tilespmem:$0x3290];
	v55 =	vadd.f32 v36, v39;
	v48 =	vmul.f32 $7.812500000e-03, v25  }
0x130: {  	v20 =	vsub.f32 v20, v31;
	v30 =	vmul.f32 $7.812500000e-03, v30;
	v1 =	vld [tilespmem:$0x3410];
	v5 =	vmul.f32 v47, v47  }
0x131: {  	v34 =	vadd.f32 v34, v40;
	v38 =	vmul.f32 $7.812500000e-03, v55;
	v36 =	vmul.f32 v48, v48  }
0x132: {  	v7 =	vadd.f32 v45, v7;
	v44 =	vmul.f32 v43, v26;
	v30 =	vsub.f32 v30, v5  }
0x133: {  	v51 =	vld [tilespmem:$0x3490];
	v8 =	vadd.f32 v34, v8;
	v45 =	vsub.f32 v38, v36  }
0x134: {  	v19 =	vmul.f32 v50, v19;
	v34 =	vld [tilespmem:$0x3310];
	v25 =	vadd.f32 v44, v0;
	v30 =	vadd.f32 $9.999999740e-06, v30  }
0x135: {  	v38 =	vmul.f32 v1, v26;
	v7 =	vadd.f32 v7, v8;
	v24 =	vadd.f32 $9.999999740e-06, v45  }
0x136: {  	v0 =	vld [tilespmem:$0x3510];
	v8 =	vmul.f32 v42, v20;
	v49 =	vshra.s32 v30, $0x1;
	v30 =	vmul.f32 $5.000000000e-01, v30  }
0x137: {  	v39 =	vsub.s32 $0x5F3759DF, v49;
	v55 =	vshra.s32 v24, $0x1;
	v24 =	vmul.f32 $5.000000000e-01, v24  }
0x138: {  	v19 =	vmul.f32 v19, v25;
	[tilespmem:s29+$0xFFFFFEF0] =	vst v7;
	v41 =	vsub.s32 $0x5F3759DF, v55;
	v1 =	vmul.f32 v39, v30  }
0x139: {  	v44 =	vmul.f32 v8, v51;
	v34 =	vadd.f32 v38, v34;
	v49 =	vld [tilespmem:$0x33C0];
	v36 =	vmul.f32 v41, v24  }
0x13a: {  	v38 =	vmul.f32 v39, v1  }
0x13b: {  	v51 =	vld [tilespmem:$0x3440];
	v7 =	vadd.f32 v44, v0;
	v19 =	vadd.f32 v19, v34;
	v8 =	vmul.f32 v41, v36  }
0x13c: {  	v44 =	vsub.f32 v37, v60;
	v45 =	vsub.f32 $1.500000000e+00, v38;
	v38 =	vld [tilespmem:$0x32C0]  }
0x13d: {  	v25 =	vld [tilespmem:$0x34C0];
	v7 =	vadd.f32 v7, v19;
	v8 =	vsub.f32 $1.500000000e+00, v8  }
0x13e: {  	v19 =	vld [tilespmem:$0x3340];
	v55 =	vmul.f32 v49, v21;
	v49 =	vsub.f32 v29, v57;
	v20 =	vmul.f32 v39, v45  }
0x13f: {  	v43 =	vld [tilespmem:$0x3540];
	v0 =	vmul.f32 v59, v44;
	v8 =	vmul.f32 v41, v8  }
0x140: {  	v1 =	vmul.f32 v58, v49;
	v39 =	vmul.f32 v20, v30  }
0x141: {  	v34 =	vmul.f32 v51, v21;
	[tilespmem:s29+$0xFFFFFF50] =	vst v7;
	v45 =	vmul.f32 v8, v24;
	v7 =	vadd.f32 v55, v38  }
0x142: {  	v1 =	vmul.f32 v25, v1;
	v39 =	vmul.f32 v39, v20  }
0x143: {  	v51 =	vld [tilespmem:$0x33A0];
	v19 =	vadd.f32 v34, v19;
	v5 =	vmul.f32 v45, v8;
	v0 =	vmul.f32 v7, v0  }
0x144: {  	v29 =	vld [tilespmem:$0x3420];
	v1 =	vadd.f32 v43, v1;
	v39 =	vsub.f32 $1.500000000e+00, v39  }
0x145: {  	v49 =	vld [tilespmem:$0x32A0];
	v45 =	vsub.f32 $1.500000000e+00, v5;
	v0 =	vadd.f32 v19, v0  }
0x146: {  	v17 =	vsub.f32 v17, v32;
	v40 =	vld [tilespmem:$0x34A0]  }
0x147: {  	v20 =	vmul.f32 v39, v20;
	v7 =	vmul.f32 v45, v8;
	v8 =	vld [tilespmem:$0x3320];
	v0 =	vadd.f32 v1, v0  }
0x148: {  	v18 =	vsub.f32 v18, v31;
	v17 =	vmul.f32 v50, v17;
	v51 =	vmul.f32 v51, v26  }
0x149: {  	v6 =	vsub.f32 v6, v57;
	v41 =	vld [tilespmem:$0x3520];
	v30 =	vmul.f32 v20, v30;
	v24 =	vmul.f32 v7, v24;
	[tilespmem:s29+$0xFFFFFF00] =	vst v0  }
0x14a: {  	v18 =	vmul.f32 v42, v18;
	v5 =	vmul.f32 v29, v26;
	v19 =	vadd.f32 v51, v49;
	v49 =	vld [tilespmem:$0x33D0]  }
0x14b: {  	v43 =	vmul.f32 v30, v20;
	v34 =	vld [tilespmem:$0x3450];
	v24 =	vmul.f32 v24, v7  }
0x14c: {  	v6 =	vmul.f32 v58, v6;
	v44 =	vmul.f32 v18, v40;
	v8 =	vadd.f32 v5, v8  }
0x14d: {  	v17 =	vmul.f32 v17, v19;
	v1 =	vsub.f32 $1.500000000e+00, v43;
	v45 =	vsub.f32 $1.500000000e+00, v24  }
0x14e: {  	v9 =	vsub.f32 v9, v47;
	v38 =	vmul.f32 v33, v63;
	v0 =	vadd.f32 v44, v41;
	v41 =	vld [tilespmem:$0x34D0]  }
0x14f: {  	v29 =	vmovc v31;
	v8 =	vadd.f32 v8, v17;
	v30 =	vmul.f32 v1, v20;
	v31 =	vmul.f32 v45, v7  }
0x150: {  	v39 =	vsub.f32 v27, v48;
	v51 =	vld [tilespmem:$0x32D0];
	v19 =	vmul.f32 v49, v21;
	v1 =	vmul.f32 v34, v21  }
0x151: {  	v40 =	vld [tilespmem:$0x3350];
	v34 =	vsub.f32 v23, v48;
	v0 =	vadd.f32 v0, v8;
	v8 =	vmul.f32 v33, v2  }
0x152: {  	v44 =	vld [tilespmem:$0x3550];
	v7 =	vadd.f32 v38, v61;
	v9 =	vmul.f32 v30, v9;
	v18 =	vmul.f32 v31, v39  }
0x153: {  	v43 =	vsub.f32 v62, v60;
	v6 =	vmul.f32 v41, v6;
	v41 =	vmul.f32 v31, v34;
	v34 =	vld [tilespmem:s3+$0x40];
	[tilespmem:s29+$0xFFFFFF60] =	vst v0  }
0x154: {  	v8 =	vadd.f32 v8, v4;
	v7 =	vmul.f32 v9, v7;
	v0 =	vld [tilespmem:$0x33B0];
	v9 =	vmul.f32 v18, v28  }
0x155: {  	v17 =	vadd.f32 v19, v51;
	v45 =	vld [tilespmem:$0x3430]  }
0x156: {  	v5 =	vmul.f32 v59, v43;
	v49 =	vld [tilespmem:$0x32B0];
	v7 =	vadd.f32 v7, v8;
	v8 =	vadd.f32 v9, v3  }
0x157: {  	s2 =	sadd.s32 $0xFFFFFFFC, s28;
	v1 =	vadd.f32 v1, v40;
	v51 =	vld [tilespmem:$0x34B0]  }
0x158: {  	[tilespmem:$0x1FCB0] =	vst v63;
	s2 =	sand.u32 $0xC0, s2;
	v5 =	vmul.f32 v17, v5;
	v28 =	vsub.f32 v15, v47;
	v9 =	vld [tilespmem:$0x3330];
	v7 =	vadd.f32 v8, v7  }
0x159: {  	[tilespmem:$0x1FE40] =	vst v58;
	s2 =	sshrl.u32 s2, $0x2;
	v55 =	vmov v58;
	v63 =	vld [tilespmem:$0x3530]  }
0x15a: {  	v58 =	vadd.f32 v44, v6;
	v1 =	vadd.f32 v1, v5;
	v40 =	vmul.f32 v30, v28;
	v28 =	vld [tilespmem:s2+$0x200];
	[tilespmem:s29+$0xFFFFFFC0] =	vst v7  }
0x15b: {  	v62 =	vmul.f32 v45, v26;
	v19 =	vld [tilespmem:$0x3390]  }
0x15c: {  	v1 =	vadd.f32 v58, v1;
	v20 =	vld [tilespmem:$0x3410]  }
0x15d: {  	[tilespmem:$0x1FE20] =	vst v57;
	v38 =	vmov v57;
	v6 =	vadd.f32 v62, v9;
	v9 =	vld [tilespmem:$0x3310]  }
0x15e: {  	v57 =	vsub.f32 v14, v29;
	v8 =	vsub.f32 v13, v32;
	v0 =	vmul.f32 v0, v26;
	[tilespmem:s29+$0xFFFFFF10] =	vst v1;
	v27 =	vld [tilespmem:$0x3490]  }
0x15f: {  	v7 =	vld [tilespmem:$0x32E0]  }
0x160: {  	v18 =	vmul.f32 v50, v8;
	v8 =	vmul.f32 v42, v57;
	v0 =	vadd.f32 v0, v49;
	v39 =	vld [tilespmem:$0x33E0]  }
0x161: {  	v43 =	vld [tilespmem:$0x3460]  }
0x162: {  	v24 =	vmul.f32 v8, v51;
	v8 =	vld [tilespmem:$0x3290];
	v0 =	vmul.f32 v0, v18  }
0x163: {  	v37 =	vld [tilespmem:$0x3510]  }
0x164: {  	v15 =	vld [tilespmem:$0x3360];
	v25 =	vadd.f32 v24, v63;
	v0 =	vadd.f32 v6, v0  }
0x165: {  	v13 =	vmul.f32 v19, v33;
	v17 =	vmul.f32 v39, v21;
	v39 =	vld [tilespmem:s31+$0x40]  }
0x166: {  	v36 =	vmul.f32 v20, v33;
	v6 =	vmul.f32 v41, v27;
	v41 =	vld [tilespmem:s3+$0x50];
	v0 =	vadd.f32 v25, v0  }
0x167: {  	[tilespmem:$0x1FC70] =	vst v29;
	v18 =	vmul.f32 v43, v21;
	v43 =	vsub.f32 v12, v29;
	v29 =	vld [tilespmem:$0x1FED0];
	v8 =	vadd.f32 v13, v8  }
0x168: {  	v44 =	vadd.f32 v36, v9;
	v36 =	vld [tilespmem:$0x1FC30];
	[tilespmem:s29+$0xFFFFFF70] =	vst v0  }
0x169: {  	v45 =	vmul.f32 v40, v8;
	v8 =	vld [tilespmem:$0x32C0]  }
0x16a: {  	v9 =	vld [tilespmem:$0x33C0]  }
0x16b: {  	v51 =	vld [tilespmem:$0x3340]  }
0x16c: {  	v57 =	vld [tilespmem:$0x3440]  }
0x16d: {  	v58 =	vld [tilespmem:$0x34C0]  }
0x16e: {  	v49 =	vadd.f32 v6, v37;
	v62 =	vld [tilespmem:$0x3540]  }
0x16f: {  	v0 =	vadd.f32 v45, v44;
	v44 =	vld [tilespmem:s31+$0x50];
	v37 =	vsub.f32 v36, v60  }
0x170: {  	v45 =	vld [tilespmem:s31+$0x60]  }
0x171: {  	[tilespmem:$0x1FE30] =	vst v59;
	s2 =	sadd.s32 $0x8, s0;
	v0 =	vadd.f32 v49, v0;
	v4 =	vmul.f32 v59, v37;
	v59 =	vld [tilespmem:s31+$0x70]  }
0x172: {  	v49 =	vmov s2;
	v37 =	vld [tilespmem:s31+$0x90]  }
0x173: {  	v6 =	vmul.f32 v57, v26;
	v57 =	vperm.xlane v28, v49;
	v28 =	vld [tilespmem:$0x1FEE0];
	[tilespmem:s29+$0xFFFFFFD0] =	vst v0  }
0x174: {  	v7 =	vadd.f32 v17, v7;
	v40 =	vsub.f32 v35, v32;
	v9 =	vmul.f32 v9, v26;
	v0 =	vld [tilespmem:$0x32A0]  }
0x175: {  	v15 =	vadd.f32 v18, v15;
	v3 =	vmul.f32 v42, v43;
	v63 =	vld [tilespmem:$0x33A0]  }
0x176: {  	v2 =	vmul.f32 v50, v40;
	v8 =	vadd.f32 v9, v8;
	v9 =	vld [tilespmem:s3+$0x60];
	v4 =	vmul.f32 v7, v4  }
0x177: {  	v1 =	vmul.f32 v58, v3;
	v19 =	vld [tilespmem:$0x3420];
	v5 =	vadd.f32 v6, v51;
	v51 =	vsub.f32 v39, v34  }
0x178: {  	v6 =	vld [tilespmem:s3+$0x70];
	v58 =	vsub.f32 v44, v41;
	v4 =	vadd.f32 v15, v4  }
0x179: {  	[tilespmem:$0x1FCC0] =	vst v61;
	v1 =	vadd.f32 v62, v1;
	v62 =	vld [tilespmem:s31+$0x80];
	v2 =	vmul.f32 v8, v2  }
0x17a: {  	v16 =	vsub.f32 v16, v47;
	v8 =	vld [tilespmem:s30+$0x40];
	v3 =	vmul.f32 v51, v57;
	[tilespmem:$0x1FCA0] =	vst v4;
	v4 =	vmul.f32 v58, v57  }
0x17b: {  	[tilespmem:$0x1FE00] =	vst v60;
	v44 =	vld [tilespmem:s30+$0x60];
	v2 =	vadd.f32 v5, v2;
	v7 =	vsub.f32 v45, v9  }
0x17c: {  	v61 =	vmovc v32;
	v5 =	vld [tilespmem:s3+$0x80];
	v20 =	vadd.f32 v3, v34;
	v60 =	vmul.f32 v63, v33;
	v32 =	vadd.f32 v4, v41  }
0x17d: {  	v63 =	vld [tilespmem:s30+$0x50];
	v15 =	vsub.f32 v59, v6;
	v1 =	vadd.f32 v1, v2;
	v35 =	vmul.f32 v7, v57  }
0x17e: {  	v45 =	vld [tilespmem:$0x3320];
	v36 =	vadd.f32 $0.0e+00, v20;
	v23 =	vmul.f32 v20, v20;
	v39 =	vmul.f32 v32, v32  }
0x17f: {  	v7 =	vld [tilespmem:s3+$0x90];
	v49 =	vadd.f32 v8, v29;
	v43 =	vadd.f32 v35, v9;
	v9 =	vmul.f32 v15, v57  }
0x180: {  	v17 =	vmul.f32 v19, v33;
	v0 =	vadd.f32 v60, v0;
	v58 =	vadd.f32 v39, v23;
	v23 =	vld [tilespmem:s3+$0xA0]  }
0x181: {  	v14 =	vsub.f32 v62, v5;
	v60 =	vmul.f32 v49, v49;
	v62 =	vadd.f32 v9, v6;
	v9 =	vld [tilespmem:s31+$0xA0]  }
0x182: {  	v41 =	vld [tilespmem:s31+$0xB0];
	v27 =	vadd.f32 v63, v28;
	v39 =	vadd.f32 v32, v36;
	v59 =	vmul.f32 v43, v43  }
0x183: {  	v35 =	vld [tilespmem:s3+$0xB0];
	v4 =	vadd.f32 v17, v45;
	v36 =	vadd.f32 v44, v46;
	v63 =	vmul.f32 v14, v57  }
0x184: {  	v25 =	vmul.f32 v27, v27;
	v34 =	vsub.f32 v37, v7;
	v2 =	vadd.f32 v59, v58  }
0x185: {  	v8 =	vadd.f32 v63, v5;
	v40 =	vmul.f32 v62, v62;
	v5 =	vadd.f32 v43, v39  }
0x186: {  	v59 =	vld [tilespmem:s30+$0x70];
	v14 =	vadd.f32 v25, v60;
	v15 =	vmul.f32 v34, v57;
	v58 =	vsub.f32 v9, v23  }
0x187: {  	v63 =	vld [tilespmem:s30+$0x80];
	v2 =	vadd.f32 v40, v2;
	v45 =	vmul.f32 v8, v8;
	v5 =	vadd.f32 v62, v5  }
0x188: {  	v39 =	vld [tilespmem:$0x1FF10];
	v51 =	vadd.f32 v15, v7;
	v9 =	vsub.f32 v41, v35;
	v7 =	vmul.f32 v58, v57  }
0x189: {  	v17 =	vmul.f32 v36, v36;
	v2 =	vadd.f32 v45, v2;
	v5 =	vadd.f32 v8, v5  }
0x18a: {  	[tilespmem:$0x1FD80] =	vst v8;
	v60 =	vmul.f32 v51, v51;
	v8 =	vadd.f32 v7, v23;
	v23 =	vmul.f32 v9, v57  }
0x18b: {  	v3 =	vld [tilespmem:$0x1FF30];
	[tilespmem:s29+$0xFFFFFF80] =	vst v1;
	v14 =	vadd.f32 v17, v14;
	v44 =	vadd.f32 v59, v53  }
0x18c: {  	[tilespmem:$0x1FD50] =	vst v62;
	v25 =	vld [tilespmem:s30+$0x90];
	v62 =	vadd.f32 v60, v2;
	v24 =	vadd.f32 v23, v35;
	v41 =	vmul.f32 v8, v8  }
0x18d: {  	v16 =	vmul.f32 v30, v16;
	s2 =	sand.u32 $0xC0, s28;
	v34 =	vadd.f32 v63, v39;
	v5 =	vadd.f32 v51, v5;
	v9 =	vld [tilespmem:$0x33D0]  }
0x18e: {  	s2 =	sshrl.u32 s2, $0x2;
	[tilespmem:$0x1FDC0] =	vst v51;
	v51 =	vmul.f32 v44, v44;
	v1 =	vadd.f32 v41, v62;
	v19 =	vmul.f32 v24, v24;
	v62 =	vld [tilespmem:$0x1FF20]  }
0x18f: {  	v0 =	vmul.f32 v16, v0;
	v16 =	vld [tilespmem:s2+$0x200];
	v40 =	vsub.f32 v22, v48;
	v5 =	vadd.f32 v8, v5  }
0x190: {  	v45 =	vld [tilespmem:$0x32D0];
	v7 =	vadd.f32 v51, v14;
	v23 =	vmul.f32 v34, v34;
	v1 =	vadd.f32 v19, v1  }
0x191: {  	s2 =	sadd.s32 $0x9, s0;
	v17 =	vld [tilespmem:s3+$0xC0];
	v51 =	vadd.f32 v4, v0;
	v4 =	vmul.f32 v31, v40;
	v58 =	vadd.f32 v24, v5  }
0x192: {  	v59 =	vld [tilespmem:s30+$0xA0];
	v40 =	vmov s2;
	v7 =	vadd.f32 v23, v7;
	v37 =	vperm.xlane v1, v10  }
0x193: {  	[tilespmem:$0x1FEB0] =	vst v24;
	v5 =	vld [tilespmem:$0x34A0];
	v9 =	vmul.f32 v9, v26;
	v24 =	vperm.xlane v58, v10;
	v18 =	vadd.f32 v25, v62  }
0x194: {  	[tilespmem:$0x1FE50] =	vst v8;
	v8 =	vperm.xlane v16, v40;
	v41 =	vadd.f32 $0.0e+00, v49;
	v25 =	vld [tilespmem:s30+$0xB0];
	v1 =	vadd.f32 v37, v1  }
0x195: {  	v40 =	vld [tilespmem:s30+$0xD0];
	v45 =	vadd.f32 v9, v45;
	v2 =	vadd.f32 v58, v24;
	v9 =	vmul.f32 v18, v18  }
0x196: {  	v14 =	vld [tilespmem:s31+$0xC0];
	v60 =	vadd.f32 v27, v41;
	v58 =	vperm.xlane v1, v11  }
0x197: {  	v35 =	vadd.f32 v59, v3;
	v23 =	vld [tilespmem:s3+$0xD0];
	v7 =	vadd.f32 v9, v7;
	v9 =	vperm.xlane v2, v11  }
0x198: {  	v19 =	vld [tilespmem:s3+$0xE0];
	v4 =	vmul.f32 v4, v5;
	v5 =	vadd.f32 v36, v60;
	v1 =	vadd.f32 v58, v1  }
0x199: {  	v59 =	vmul.f32 v35, v35;
	v15 =	vadd.f32 v25, v52;
	v2 =	vadd.f32 v2, v9;
	v9 =	vld [tilespmem:s31+$0xD0]  }
0x19a: {  	v24 =	vld [tilespmem:s31+$0xE0];
	v41 =	vadd.f32 v44, v5;
	v5 =	vadd.f32 v40, v28;
	v37 =	vperm.xlane v1, v56  }
0x19b: {  	v0 =	vadd.f32 v59, v7;
	v63 =	vmul.f32 v15, v15;
	v13 =	vperm.xlane v2, v56  }
0x19c: {  	v6 =	vld [tilespmem:$0x3520];
	v58 =	vsub.f32 v14, v17;
	v1 =	vadd.f32 v37, v1  }
0x19d: {  	v25 =	vadd.f32 v63, v0;
	v63 =	vld [tilespmem:s30+$0xC0];
	v0 =	vadd.f32 v2, v13  }
0x19e: {  	v7 =	vld [tilespmem:s31+$0x100];
	v2 =	vadd.f32 v34, v41;
	v59 =	vsub.f32 v9, v23;
	v37 =	vperm.xlane v1, v54  }
0x19f: {  	[tilespmem:$0x1FD90] =	vst v34;
	v41 =	vmul.f32 v58, v8;
	v34 =	vld [tilespmem:s3+$0xF0];
	v9 =	vsub.f32 v24, v19;
	v60 =	vperm.xlane v0, v54  }
0x1a0: {  	v2 =	vadd.f32 v18, v2;
	v58 =	vmul.f32 v59, v8;
	v59 =	vld [tilespmem:s30+$0xE0];
	v22 =	vadd.f32 v37, v1  }
0x1a1: {  	v1 =	vmul.f32 v9, v8;
	v9 =	vadd.f32 v41, v17;
	v37 =	vld [tilespmem:s31+$0xF0];
	v16 =	vadd.f32 v0, v60  }
0x1a2: {  	v2 =	vadd.f32 v35, v2;
	v60 =	vadd.f32 v63, v29;
	v29 =	vld [tilespmem:s31+$0x110]  }
0x1a3: {  	[tilespmem:$0x1FDD0] =	vst v18;
	v13 =	vadd.f32 v58, v23;
	v18 =	vadd.f32 v1, v19;
	v19 =	vld [tilespmem:s3+$0x100]  }
0x1a4: {  	v12 =	vmovc v52;
	v52 =	vadd.f32 v4, v6;
	v4 =	vmul.f32 v5, v5;
	v63 =	vmul.f32 v9, v9;
	v58 =	vld [tilespmem:s3+$0x110]  }
0x1a5: {  	[tilespmem:$0x1FE60] =	vst v35;
	v1 =	vld [tilespmem:s30+$0xF0];
	v14 =	vadd.f32 v15, v2;
	v2 =	vmul.f32 v60, v60;
	v0 =	vmul.f32 v13, v13  }
0x1a6: {  	[tilespmem:$0x1FEC0] =	vst v15;
	v35 =	vmul.f32 v18, v18;
	v15 =	vadd.f32 v59, v46;
	v17 =	vsub.f32 v37, v34  }
0x1a7: {  	v28 =	vperm.xlane v14, v10;
	v6 =	vadd.f32 v4, v2;
	v2 =	vperm.xlane v25, v10  }
0x1a8: {  	v23 =	vadd.f32 v0, v63;
	v37 =	vmul.f32 v15, v15;
	v46 =	vsub.f32 v7, v19  }
0x1a9: {  	v14 =	vadd.f32 v28, v14;
	v17 =	vmul.f32 v17, v8;
	v0 =	vsub.f32 v29, v58  }
0x1aa: {  	v63 =	vld [tilespmem:s3+$0x120];
	v41 =	vadd.f32 v37, v6;
	v6 =	vadd.f32 v1, v53;
	v53 =	vmul.f32 v46, v8  }
0x1ab: {  	v29 =	vld [tilespmem:s31+$0x120];
	v59 =	vadd.f32 v2, v25;
	v7 =	vadd.f32 v17, v34;
	v1 =	vperm.xlane v14, v11  }
0x1ac: {  	v23 =	vadd.f32 v35, v23;
	v34 =	vld [tilespmem:s30+$0x100];
	v46 =	vmul.f32 v0, v8;
	v17 =	vadd.f32 v53, v19  }
0x1ad: {  	v24 =	vmovc v54;
	v54 =	vld [tilespmem:s31+$0x130];
	v4 =	vmul.f32 v7, v7;
	v28 =	vmul.f32 v6, v6;
	v40 =	vadd.f32 v1, v14  }
0x1ae: {  	v0 =	vadd.f32 v46, v58;
	v1 =	vadd.f32 $0.0e+00, v9;
	v58 =	vld [tilespmem:s3+$0x130]  }
0x1af: {  	v19 =	vadd.f32 v4, v23;
	v23 =	vadd.f32 v28, v41  }
0x1b0: {  	v2 =	vld [tilespmem:s30+$0x110];
	v53 =	vmul.f32 v17, v17;
	v4 =	vsub.f32 v29, v63;
	v29 =	vadd.f32 $0.0e+00, v60  }
0x1b1: {  	v25 =	vadd.f32 v13, v1;
	v14 =	vadd.f32 v34, v39;
	v39 =	vperm.xlane v40, v56  }
0x1b2: {  	v19 =	vadd.f32 v53, v19;
	v53 =	vmul.f32 v0, v0;
	v29 =	vadd.f32 v5, v29  }
0x1b3: {  	v1 =	vmul.f32 v4, v8;
	v25 =	vadd.f32 v18, v25;
	v28 =	vsub.f32 v54, v58  }
0x1b4: {  	v40 =	vadd.f32 v39, v40;
	v35 =	vadd.f32 v53, v19  }
0x1b5: {  	v46 =	vmul.f32 v14, v14;
	v34 =	vadd.f32 v1, v63;
	v19 =	vadd.f32 v2, v62  }
0x1b6: {  	v29 =	vadd.f32 v15, v29;
	v25 =	vadd.f32 v7, v25;
	v2 =	vld [tilespmem:s30+$0x120]  }
0x1b7: {  	v23 =	vadd.f32 v46, v23;
	v28 =	vmul.f32 v28, v8;
	v4 =	vmul.f32 v19, v19  }
0x1b8: {  	v46 =	vld [tilespmem:s30+$0x130];
	v63 =	vmul.f32 v34, v34;
	v29 =	vadd.f32 v6, v29;
	v25 =	vadd.f32 v17, v25  }
0x1b9: {  	v41 =	vadd.f32 v28, v58;
	v23 =	vadd.f32 v4, v23  }
0x1ba: {  	v63 =	vadd.f32 v63, v35;
	v29 =	vadd.f32 v14, v29  }
0x1bb: {  	v54 =	vadd.f32 v0, v25;
	v25 =	vadd.f32 v2, v3  }
0x1bc: {  	v1 =	vmul.f32 v41, v41;
	v2 =	vperm.xlane v59, v11;
	v62 =	vadd.f32 v19, v29  }
0x1bd: {  	[tilespmem:$0x1FDE0] =	vst v0;
	v0 =	vadd.f32 v34, v54;
	v35 =	vadd.f32 v46, v12  }
0x1be: {  	v37 =	vmul.f32 v25, v25;
	v3 =	vadd.f32 v1, v63;
	v58 =	vadd.f32 v2, v59  }
0x1bf: {  	v28 =	vadd.f32 v25, v62;
	v29 =	vadd.f32 v41, v0  }
0x1c0: {  	v2 =	vperm.xlane v40, v24;
	v4 =	vmul.f32 v35, v35;
	v23 =	vadd.f32 v37, v23  }
0x1c1: {  	v63 =	vperm.xlane v3, v10;
	v28 =	vadd.f32 v35, v28;
	v12 =	vperm.xlane v29, v10  }
0x1c2: {  	v46 =	vperm.xlane v58, v56;
	v40 =	vadd.f32 v2, v40;
	v23 =	vadd.f32 v4, v23  }
0x1c3: {  	v37 =	vadd.f32 v63, v3;
	v29 =	vadd.f32 v29, v12;
	v62 =	vperm.xlane v28, v10  }
0x1c4: {  	v58 =	vadd.f32 v46, v58;
	v63 =	vmul.f32 $7.812500000e-03, v22;
	v0 =	vperm.xlane v23, v10  }
0x1c5: {  	v3 =	vperm.xlane v37, v11;
	v28 =	vadd.f32 v62, v28;
	v1 =	vperm.xlane v29, v11  }
0x1c6: {  	v22 =	vmul.f32 $7.812500000e-03, v40;
	v4 =	vperm.xlane v58, v24;
	v23 =	vadd.f32 v0, v23  }
0x1c7: {  	v37 =	vadd.f32 v3, v37;
	v29 =	vadd.f32 v29, v1;
	v12 =	vperm.xlane v28, v11  }
0x1c8: {  	v54 =	vadd.f32 v4, v58;
	v4 =	vmul.f32 v22, v22;
	v39 =	vperm.xlane v23, v11  }
0x1c9: {  	v62 =	vperm.xlane v37, v56;
	v28 =	vadd.f32 v12, v28;
	v46 =	vperm.xlane v29, v56  }
0x1ca: {  	v2 =	vmul.f32 $7.812500000e-03, v54;
	v53 =	vadd.f32 v39, v23;
	v23 =	vmul.f32 $7.812500000e-03, v16  }
0x1cb: {  	v16 =	vadd.f32 v62, v37;
	v29 =	vadd.f32 v29, v46;
	v0 =	vperm.xlane v28, v56  }
0x1cc: {  	v40 =	vsub.f32 v2, v4;
	v1 =	vperm.xlane v53, v56;
	v3 =	vmul.f32 v23, v23  }
0x1cd: {  	v46 =	vperm.xlane v16, v24;
	v28 =	vadd.f32 v0, v28;
	v12 =	vperm.xlane v29, v24  }
0x1ce: {  	v37 =	vadd.f32 v1, v53;
	v54 =	vsub.f32 v63, v3;
	v63 =	vld [tilespmem:$0x1FC40]  }
0x1cf: {  	v16 =	vadd.f32 v46, v16;
	v56 =	vperm.xlane v28, v24;
	v29 =	vadd.f32 v29, v12  }
0x1d0: {  	v40 =	vadd.f32 $9.999999740e-06, v40;
	v59 =	vperm.xlane v37, v24;
	v62 =	vadd.f32 $9.999999740e-06, v54  }
0x1d1: {  	v58 =	vmul.f32 $7.812500000e-03, v16;
	v28 =	vadd.f32 v56, v28;
	v46 =	vmul.f32 $7.812500000e-03, v29  }
0x1d2: {  	v37 =	vadd.f32 v59, v37;
	v3 =	vshra.s32 v62, $0x1;
	v53 =	vmul.f32 $5.000000000e-01, v62  }
0x1d3: {  	v59 =	vmul.f32 $5.000000000e-01, v40;
	v40 =	vshra.s32 v40, $0x1;
	v62 =	vld [tilespmem:$0x1FC50];
	v54 =	vsub.f32 v63, v38  }
0x1d4: {  	v29 =	vsub.s32 $0x5F3759DF, v3;
	v16 =	vmul.f32 $7.812500000e-03, v28;
	v10 =	vmul.f32 v46, v46  }
0x1d5: {  	v40 =	vsub.s32 $0x5F3759DF, v40;
	v28 =	vmul.f32 $7.812500000e-03, v37;
	v37 =	vld [tilespmem:$0x34E0];
	v4 =	vmul.f32 v29, v53  }
0x1d6: {  	v38 =	vadd.f32 v52, v51;
	v11 =	vmul.f32 v40, v59;
	v1 =	vmul.f32 v16, v16  }
0x1d7: {  	v10 =	vsub.f32 v58, v10;
	v54 =	vmul.f32 v55, v54;
	v2 =	vmul.f32 v29, v4  }
0x1d8: {  	v11 =	vmul.f32 v40, v11;
	v0 =	vsub.f32 v62, v61;
	v12 =	vsub.f32 v28, v1  }
0x1d9: {  	v55 =	vld [tilespmem:$0x1FC60];
	v10 =	vadd.f32 $9.999999740e-06, v10;
	v4 =	vsub.f32 $1.500000000e+00, v2  }
0x1da: {  	[tilespmem:s29+$0xFFFFFFE0] =	vst v38;
	v38 =	vld [tilespmem:$0x1FC70];
	v11 =	vsub.f32 $1.500000000e+00, v11;
	v3 =	vmul.f32 v50, v0;
	v37 =	vmul.f32 v37, v54  }
0x1db: {  	v51 =	vld [tilespmem:$0x3560];
	v12 =	vadd.f32 $9.999999740e-06, v12;
	v2 =	vshra.s32 v10, $0x1;
	v10 =	vmul.f32 $5.000000000e-01, v10  }
0x1dc: {  	v39 =	vmov v61;
	v61 =	vld [tilespmem:$0x3430];
	v29 =	vmul.f32 v29, v4;
	v11 =	vmul.f32 v40, v11  }
0x1dd: {  	v28 =	vmul.f32 v45, v3;
	v3 =	vshra.s32 v12, $0x1;
	v12 =	vmul.f32 $5.000000000e-01, v12  }
0x1de: {  	v54 =	vld [tilespmem:$0x3450];
	v4 =	vmul.f32 v29, v53;
	v52 =	vsub.s32 $0x5F3759DF, v3;
	v63 =	vmul.f32 v11, v59  }
0x1df: {  	v58 =	vld [tilespmem:$0x34D0];
	v40 =	vsub.s32 $0x5F3759DF, v2;
	v45 =	vsub.f32 v55, v38;
	v0 =	vmul.f32 v52, v12  }
0x1e0: {  	v37 =	vadd.f32 v51, v37;
	v56 =	vmul.f32 v4, v29;
	v4 =	vld [tilespmem:$0x3350];
	v51 =	vmul.f32 v63, v11  }
0x1e1: {  	v62 =	vmul.f32 v40, v10;
	v55 =	vld [tilespmem:$0x1FC80];
	v3 =	vmul.f32 v61, v33  }
0x1e2: {  	v45 =	vmul.f32 v42, v45;
	v63 =	vld [tilespmem:$0x33B0];
	v0 =	vmul.f32 v52, v0;
	v51 =	vsub.f32 $1.500000000e+00, v51  }
0x1e3: {  	v1 =	vmul.f32 v40, v62;
	v62 =	vld [tilespmem:$0x3550];
	v54 =	vmul.f32 v54, v26;
	v56 =	vsub.f32 $1.500000000e+00, v56  }
0x1e4: {  	v45 =	vmul.f32 v58, v45;
	v58 =	vld [tilespmem:$0x1FCA0];
	v0 =	vsub.f32 $1.500000000e+00, v0;
	v11 =	vmul.f32 v51, v11  }
0x1e5: {  	v1 =	vsub.f32 $1.500000000e+00, v1;
	v29 =	vmul.f32 v56, v29;
	v56 =	vld [tilespmem:$0x1FC90];
	v4 =	vadd.f32 v54, v4  }
0x1e6: {  	v0 =	vmul.f32 v52, v0;
	v52 =	vld [tilespmem:$0x32B0];
	v61 =	vmul.f32 v11, v59  }
0x1e7: {  	v1 =	vmul.f32 v40, v1;
	v54 =	vld [tilespmem:$0x3330];
	v4 =	vadd.f32 v4, v28;
	v28 =	vmul.f32 v63, v33  }
0x1e8: {  	v40 =	vsub.f32 v55, v47;
	v63 =	vmul.f32 v0, v12;
	v59 =	vmul.f32 v61, v11  }
0x1e9: {  	v55 =	vld [tilespmem:$0x34B0];
	v2 =	vadd.f32 v62, v45;
	v62 =	vmul.f32 v1, v10;
	v37 =	vadd.f32 v37, v58  }
0x1ea: {  	v51 =	vsub.f32 v56, v48;
	v61 =	vmul.f32 v63, v0;
	v63 =	vsub.f32 $1.500000000e+00, v59;
	v59 =	vld [tilespmem:$0x1FCB0]  }
0x1eb: {  	v40 =	vmul.f32 v30, v40;
	v2 =	vadd.f32 v2, v4;
	v28 =	vadd.f32 v28, v52;
	v52 =	vld [tilespmem:$0x3530]  }
0x1ec: {  	v4 =	vmul.f32 v62, v1;
	v3 =	vadd.f32 v3, v54;
	v54 =	vld [tilespmem:$0x1FCC0];
	v45 =	vmul.f32 v31, v51  }
0x1ed: {  	v51 =	vmul.f32 v29, v53  }
0x1ee: {  	[tilespmem:s29+$0xFFFFFF20] =	vst v37;
	v4 =	vsub.f32 $1.500000000e+00, v4;
	v28 =	vmul.f32 v28, v40;
	v37 =	vmul.f32 v45, v55  }
0x1ef: {  	v58 =	vld [tilespmem:$0x3570];
	v61 =	vsub.f32 $1.500000000e+00, v61;
	v55 =	vmul.f32 v63, v11;
	v63 =	vmul.f32 v57, v59  }
0x1f0: {  	v51 =	vmul.f32 v51, v29;
	v1 =	vmul.f32 v4, v1;
	v11 =	vld [tilespmem:$0x33F0];
	v3 =	vadd.f32 v3, v28  }
0x1f1: {  	v0 =	vmul.f32 v61, v0;
	v40 =	vadd.f32 v37, v52;
	v28 =	vadd.f32 v63, v54;
	v63 =	vld [tilespmem:$0x1FCD0]  }
0x1f2: {  	v45 =	vld [tilespmem:$0x3470];
	v62 =	vsub.f32 $1.500000000e+00, v51  }
0x1f3: {  	v10 =	vmul.f32 v1, v10;
	v12 =	vmul.f32 v0, v12;
	v3 =	vadd.f32 v40, v3;
	v40 =	vld [tilespmem:$0x1FCE0]  }
0x1f4: {  	v20 =	vsub.f32 v20, v23;
	v51 =	vld [tilespmem:$0x32F0];
	v56 =	vmul.f32 v62, v29  }
0x1f5: {  	v52 =	vld [tilespmem:$0x34F0];
	v62 =	vsub.f32 v49, v22;
	v61 =	vmul.f32 v10, v1;
	v10 =	vmul.f32 v12, v0  }
0x1f6: {  	v37 =	vld [tilespmem:$0x1FD00];
	v4 =	vmul.f32 v56, v20;
	v53 =	vmul.f32 v57, v63  }
0x1f7: {  	[tilespmem:s29+$0xFFFFFF90] =	vst v2;
	v59 =	vmul.f32 v8, v59;
	v49 =	vld [tilespmem:$0x3370];
	v20 =	vmul.f32 v55, v62;
	v2 =	vsub.f32 $1.500000000e+00, v61  }
0x1f8: {  	v10 =	vsub.f32 $1.500000000e+00, v10;
	v4 =	vmul.f32 v4, v28;
	v62 =	vadd.f32 v53, v40;
	v53 =	vld [tilespmem:$0x1FCF0]  }
0x1f9: {  	v9 =	vsub.f32 v9, v46;
	v29 =	vld [tilespmem:$0x33E0];
	v11 =	vmul.f32 v11, v21;
	[tilespmem:s29+$0xFFFFFFF0] =	vst v3;
	v61 =	vmul.f32 v2, v1  }
0x1fa: {  	v12 =	vld [tilespmem:$0x33C0];
	v3 =	vadd.f32 v4, v62;
	v62 =	vmul.f32 v10, v0;
	v10 =	vsub.f32 v60, v16  }
0x1fb: {  	v11 =	vadd.f32 v11, v51;
	v51 =	vld [tilespmem:$0x1FE40]  }
0x1fc: {  	v28 =	vld [tilespmem:$0x32E0];
	v2 =	vadd.f32 v59, v54;
	v9 =	vmul.f32 v61, v9;
	v10 =	vmul.f32 v62, v10  }
0x1fd: {  	v1 =	vld [tilespmem:$0x32C0];
	v20 =	vmul.f32 v20, v53  }
0x1fe: {  	v59 =	vld [tilespmem:$0x3440];
	v2 =	vmul.f32 v9, v2;
	v9 =	vmul.f32 v10, v53  }
0x1ff: {  	v54 =	vld [tilespmem:$0x3540];
	v63 =	vmul.f32 v8, v63;
	v20 =	vadd.f32 v20, v37  }
0x200: {  	v4 =	vld [tilespmem:$0x3360];
	v60 =	vadd.f32 v9, v37  }
0x201: {  	v37 =	vld [tilespmem:$0x1FD10];
	v0 =	vadd.f32 v20, v3;
	v3 =	vadd.f32 v63, v40;
	v63 =	vmul.f32 v12, v33  }
0x202: {  	v20 =	vld [tilespmem:$0x3340]  }
0x203: {  	[tilespmem:s29+$0x40] =	vst v0;
	v1 =	vadd.f32 v63, v1;
	v63 =	vmul.f32 v59, v33;
	v59 =	vld [tilespmem:$0x1FD20]  }
0x204: {  	v10 =	vld [tilespmem:$0x3390]  }
0x205: {  	v40 =	vld [tilespmem:$0x3410]  }
0x206: {  	v2 =	vadd.f32 v2, v3;
	v9 =	vld [tilespmem:$0x3290]  }
0x207: {  	v53 =	vld [tilespmem:$0x3310]  }
0x208: {  	v12 =	vld [tilespmem:$0x3490];
	v2 =	vadd.f32 v60, v2  }
0x209: {  	v27 =	vsub.f32 v27, v22;
	v32 =	vsub.f32 v32, v23;
	v0 =	vld [tilespmem:$0x34C0];
	v10 =	vmul.f32 v10, v57  }
0x20a: {  	[tilespmem:s29+$0xC0] =	vst v2;
	v60 =	vmul.f32 v40, v57;
	v40 =	vld [tilespmem:$0x3510]  }
0x20b: {  	v27 =	vmul.f32 v55, v27;
	v9 =	vadd.f32 v10, v9;
	v10 =	vmul.f32 v56, v32;
	v32 =	vld [tilespmem:$0x3390]  }
0x20c: {  	v2 =	vsub.f32 v37, v47;
	v37 =	vld [tilespmem:$0x3460];
	v3 =	vadd.f32 v60, v53  }
0x20d: {  	v60 =	vld [tilespmem:$0x3290];
	v9 =	vmul.f32 v10, v9;
	v10 =	vmul.f32 v27, v12;
	v12 =	vsub.f32 v59, v48  }
0x20e: {  	v20 =	vadd.f32 v63, v20;
	v53 =	vld [tilespmem:$0x3410]  }
0x20f: {  	v63 =	vld [tilespmem:$0x3310];
	v3 =	vadd.f32 v9, v3;
	v9 =	vadd.f32 v10, v40;
	v10 =	vmul.f32 v31, v12  }
0x210: {  	v13 =	vsub.f32 v13, v46;
	v2 =	vmul.f32 v30, v2;
	v40 =	vld [tilespmem:$0x3490];
	v32 =	vmul.f32 v32, v8  }
0x211: {  	v5 =	vsub.f32 v5, v16;
	v0 =	vmul.f32 v0, v10;
	v3 =	vadd.f32 v9, v3;
	v10 =	vld [tilespmem:$0x3510]  }
0x212: {  	v13 =	vmul.f32 v61, v13;
	v1 =	vmul.f32 v1, v2;
	v27 =	vadd.f32 v32, v60;
	v32 =	vld [tilespmem:$0x34E0]  }
0x213: {  	v5 =	vmul.f32 v62, v5;
	v9 =	vmul.f32 v53, v8;
	[tilespmem:s29+$0x50] =	vst v3;
	v3 =	vld [tilespmem:$0x3560]  }
0x214: {  	v1 =	vadd.f32 v20, v1;
	v0 =	vadd.f32 v54, v0;
	v54 =	vld [tilespmem:$0x33A0]  }
0x215: {  	v2 =	vadd.f32 v9, v63;
	v9 =	vmul.f32 v13, v27;
	v5 =	vmul.f32 v5, v40;
	v59 =	vld [tilespmem:$0x3420]  }
0x216: {  	v53 =	vld [tilespmem:$0x3520];
	v0 =	vadd.f32 v0, v1  }
0x217: {  	v2 =	vadd.f32 v9, v2;
	v5 =	vadd.f32 v5, v10;
	v9 =	vld [tilespmem:$0x32A0]  }
0x218: {  	v10 =	vld [tilespmem:$0x3320]  }
0x219: {  	[tilespmem:s29+$0x0] =	vst v0;
	v60 =	vadd.f32 v5, v2;
	v2 =	vld [tilespmem:$0x34A0]  }
0x21a: {  	v20 =	vld [tilespmem:$0x32D0]  }
0x21b: {  	v12 =	vld [tilespmem:$0x33D0];
	v63 =	vmul.f32 v54, v57;
	[tilespmem:s29+$0xD0] =	vst v60  }
0x21c: {  	v40 =	vsub.f32 v43, v23;
	v1 =	vmul.f32 v59, v57;
	v60 =	vld [tilespmem:$0x33A0]  }
0x21d: {  	v43 =	vsub.f32 v36, v22;
	v5 =	vadd.f32 v63, v9;
	v63 =	vld [tilespmem:$0x3420]  }
0x21e: {  	v1 =	vadd.f32 v1, v10;
	v10 =	vld [tilespmem:$0x1FD30]  }
0x21f: {  	v54 =	vmul.f32 v56, v40;
	v9 =	vmul.f32 v55, v43;
	v13 =	vld [tilespmem:$0x32A0]  }
0x220: {  	v59 =	vmul.f32 v29, v26;
	v43 =	vld [tilespmem:$0x3320]  }
0x221: {  	v18 =	vsub.f32 v18, v46;
	v0 =	vmul.f32 v54, v5;
	v2 =	vmul.f32 v9, v2;
	v54 =	vld [tilespmem:$0x1FD40]  }
0x222: {  	v15 =	vsub.f32 v15, v16;
	v9 =	vadd.f32 v59, v28;
	v59 =	vld [tilespmem:$0x34A0]  }
0x223: {  	v0 =	vadd.f32 v1, v0;
	v40 =	vadd.f32 v2, v53;
	v53 =	vmul.f32 v37, v26;
	v37 =	vld [tilespmem:$0x3350]  }
0x224: {  	v10 =	vsub.f32 v10, v39;
	v29 =	vmul.f32 v60, v8;
	v5 =	vmul.f32 v63, v8;
	v63 =	vld [tilespmem:$0x3520]  }
0x225: {  	v0 =	vadd.f32 v40, v0;
	v4 =	vadd.f32 v53, v4;
	v53 =	vld [tilespmem:$0x1FD50]  }
0x226: {  	v10 =	vmul.f32 v50, v10;
	v28 =	vsub.f32 v54, v38;
	v13 =	vadd.f32 v29, v13;
	v29 =	vld [tilespmem:$0x3450]  }
0x227: {  	v18 =	vmul.f32 v61, v18;
	v15 =	vmul.f32 v62, v15;
	[tilespmem:s29+$0x60] =	vst v0;
	v0 =	vld [tilespmem:$0x34D0]  }
0x228: {  	v60 =	vmul.f32 v42, v28;
	v9 =	vmul.f32 v9, v10;
	v27 =	vld [tilespmem:$0x33B0]  }
0x229: {  	v2 =	vadd.f32 v5, v43;
	v18 =	vmul.f32 v18, v13;
	v10 =	vmul.f32 v15, v59;
	v5 =	vld [tilespmem:$0x34B0]  }
0x22a: {  	v59 =	vld [tilespmem:$0x1FD60]  }
0x22b: {  	v1 =	vmul.f32 v32, v60;
	v32 =	vld [tilespmem:$0x3430];
	v2 =	vadd.f32 v2, v18;
	v36 =	vadd.f32 v10, v63  }
0x22c: {  	v4 =	vadd.f32 v4, v9;
	v9 =	vld [tilespmem:$0x32B0]  }
0x22d: {  	v10 =	vld [tilespmem:$0x3330];
	v2 =	vadd.f32 v36, v2  }
0x22e: {  	v18 =	vld [tilespmem:$0x3550]  }
0x22f: {  	v40 =	vmul.f32 v12, v33;
	v13 =	vsub.f32 v53, v23;
	v60 =	vld [tilespmem:$0x3530];
	v1 =	vadd.f32 v3, v1;
	[tilespmem:s29+$0xE0] =	vst v2  }
0x230: {  	v54 =	vsub.f32 v44, v22;
	v43 =	vmul.f32 v27, v57;
	v36 =	vld [tilespmem:$0x33B0]  }
0x231: {  	v63 =	vmul.f32 v56, v13;
	v1 =	vadd.f32 v1, v4;
	v4 =	vadd.f32 v40, v20;
	v40 =	vld [tilespmem:$0x3430]  }
0x232: {  	v3 =	vmul.f32 v32, v57;
	v9 =	vadd.f32 v43, v9;
	v32 =	vmul.f32 v55, v54;
	v43 =	vld [tilespmem:$0x1FD70]  }
0x233: {  	v2 =	vsub.f32 v59, v47;
	v44 =	vld [tilespmem:$0x32B0]  }
0x234: {  	v53 =	vld [tilespmem:$0x3330];
	v3 =	vadd.f32 v3, v10;
	v9 =	vmul.f32 v9, v63;
	v5 =	vmul.f32 v32, v5  }
0x235: {  	v7 =	vsub.f32 v7, v46;
	v27 =	vld [tilespmem:$0x3530];
	[tilespmem:s29+$0xFFFFFFA0] =	vst v1  }
0x236: {  	v2 =	vmul.f32 v30, v2;
	v1 =	vld [tilespmem:$0x32F0];
	v54 =	vadd.f32 v3, v9;
	v59 =	vadd.f32 v5, v60  }
0x237: {  	v6 =	vsub.f32 v6, v16;
	v9 =	vld [tilespmem:$0x34B0];
	v12 =	vsub.f32 v43, v48;
	v63 =	vmul.f32 v36, v8  }
0x238: {  	v4 =	vmul.f32 v4, v2;
	v2 =	vld [tilespmem:$0x33F0];
	v20 =	vmul.f32 v40, v8;
	v3 =	vadd.f32 v59, v54  }
0x239: {  	v10 =	vmul.f32 v29, v33;
	v60 =	vmul.f32 v31, v12;
	v12 =	vadd.f32 v63, v44;
	v44 =	vld [tilespmem:$0x1FD80]  }
0x23a: {  	v7 =	vmul.f32 v61, v7;
	v6 =	vmul.f32 v62, v6;
	v28 =	vadd.f32 v20, v53;
	v53 =	vld [tilespmem:$0x1FD90];
	[tilespmem:s29+$0x70] =	vst v3  }
0x23b: {  	v10 =	vadd.f32 v10, v37;
	v0 =	vmul.f32 v0, v60;
	v32 =	vld [tilespmem:$0x33C0]  }
0x23c: {  	v29 =	vmul.f32 v12, v7;
	v6 =	vmul.f32 v6, v9;
	v9 =	vld [tilespmem:$0x3440]  }
0x23d: {  	v4 =	vadd.f32 v10, v4;
	v37 =	vld [tilespmem:$0x32C0];
	v10 =	vadd.f32 v18, v0  }
0x23e: {  	v40 =	vld [tilespmem:$0x34C0];
	v3 =	vadd.f32 v28, v29;
	v36 =	vadd.f32 v6, v27  }
0x23f: {  	v0 =	vld [tilespmem:$0x3370];
	v4 =	vadd.f32 v10, v4  }
0x240: {  	v10 =	vld [tilespmem:$0x3340];
	v3 =	vadd.f32 v36, v3  }
0x241: {  	v54 =	vmul.f32 v9, v57;
	v9 =	vld [tilespmem:$0x3540];
	[tilespmem:s29+$0x10] =	vst v4  }
0x242: {  	[tilespmem:s29+$0xF0] =	vst v3;
	v13 =	vld [tilespmem:$0x32E0]  }
0x243: {  	v63 =	vld [tilespmem:$0x33C0]  }
0x244: {  	v12 =	vsub.f32 v53, v22;
	v18 =	vld [tilespmem:$0x3440]  }
0x245: {  	v7 =	vsub.f32 v44, v23;
	v43 =	vmul.f32 v32, v57;
	v20 =	vld [tilespmem:$0x32C0]  }
0x246: {  	v60 =	vmul.f32 v55, v12;
	v27 =	vld [tilespmem:$0x3340]  }
0x247: {  	v59 =	vmul.f32 v56, v7;
	v5 =	vadd.f32 v43, v37;
	v28 =	vld [tilespmem:$0x34C0]  }
0x248: {  	v4 =	vmul.f32 v40, v60;
	v40 =	vld [tilespmem:$0x3460]  }
0x249: {  	v32 =	vld [tilespmem:$0x33E0];
	v3 =	vadd.f32 v54, v10;
	v5 =	vmul.f32 v5, v59  }
0x24a: {  	v37 =	vld [tilespmem:$0x3540]  }
0x24b: {  	v12 =	vld [tilespmem:$0x3360];
	v4 =	vadd.f32 v9, v4;
	v3 =	vadd.f32 v3, v5  }
0x24c: {  	v29 =	vsub.f32 v14, v16;
	v60 =	vld [tilespmem:$0x34E0];
	v10 =	vsub.f32 v17, v46;
	v9 =	vmul.f32 v63, v8  }
0x24d: {  	v36 =	vmul.f32 v18, v8;
	v63 =	vmul.f32 v40, v33;
	v40 =	vld [tilespmem:$0x3560];
	v3 =	vadd.f32 v4, v3  }
0x24e: {  	v6 =	vadd.f32 v9, v20;
	v9 =	vmul.f32 v61, v10;
	v10 =	vmul.f32 v62, v29;
	v29 =	vld [tilespmem:$0x1FDB0]  }
0x24f: {  	v54 =	vadd.f32 v36, v27;
	v36 =	vld [tilespmem:$0x1FDC0];
	[tilespmem:s29+$0x80] =	vst v3  }
0x250: {  	v43 =	vld [tilespmem:$0x33D0]  }
0x251: {  	v59 =	vmul.f32 v6, v9;
	v5 =	vmul.f32 v28, v10;
	v44 =	vld [tilespmem:$0x3450]  }
0x252: {  	v9 =	vld [tilespmem:$0x1FDA0]  }
0x253: {  	v10 =	vld [tilespmem:$0x32D0];
	v3 =	vadd.f32 v54, v59;
	v5 =	vadd.f32 v37, v5  }
0x254: {  	v53 =	vld [tilespmem:$0x3350]  }
0x255: {  	v14 =	vmul.f32 v32, v33;
	v32 =	vld [tilespmem:$0x34D0];
	v17 =	vsub.f32 v29, v48;
	v3 =	vadd.f32 v5, v3  }
0x256: {  	v37 =	vld [tilespmem:$0x1FDD0];
	v7 =	vmul.f32 v43, v57  }
0x257: {  	v43 =	vmul.f32 v31, v17;
	v4 =	vmul.f32 v44, v57;
	v44 =	vld [tilespmem:$0x3550];
	[tilespmem:s29+$0x100] =	vst v3  }
0x258: {  	v59 =	vld [tilespmem:$0x33D0]  }
0x259: {  	v20 =	vsub.f32 v36, v23;
	v3 =	vmul.f32 v60, v43;
	v60 =	vld [tilespmem:$0x3450]  }
0x25a: {  	v9 =	vsub.f32 v9, v47;
	v29 =	vld [tilespmem:$0x3350]  }
0x25b: {  	v27 =	vsub.f32 v37, v22;
	v7 =	vadd.f32 v7, v10;
	v10 =	vmul.f32 v56, v20;
	v36 =	vld [tilespmem:$0x34D0]  }
0x25c: {  	v13 =	vadd.f32 v14, v13;
	v9 =	vmul.f32 v30, v9;
	v4 =	vadd.f32 v4, v53;
	v53 =	vld [tilespmem:$0x3550]  }
0x25d: {  	v12 =	vadd.f32 v63, v12;
	v54 =	vmul.f32 v55, v27;
	v63 =	vmul.f32 v7, v10;
	v10 =	vld [tilespmem:$0x32D0]  }
0x25e: {  	v9 =	vmul.f32 v13, v9;
	v3 =	vadd.f32 v40, v3;
	v40 =	vld [tilespmem:$0x1FDE0]  }
0x25f: {  	v13 =	vld [tilespmem:$0x3470]  }
0x260: {  	v9 =	vadd.f32 v12, v9;
	v4 =	vadd.f32 v4, v63;
	v63 =	vld [tilespmem:$0x1FDF0];
	v37 =	vmul.f32 v59, v8  }
0x261: {  	v27 =	vmul.f32 v32, v54;
	v54 =	vmov v24;
	v24 =	vld [tilespmem:$0x1FE00]  }
0x262: {  	v3 =	vadd.f32 v3, v9;
	v9 =	vadd.f32 v37, v10;
	v10 =	vld [tilespmem:$0x34F0]  }
0x263: {  	v43 =	vsub.f32 v19, v16;
	v15 =	vsub.f32 v40, v46;
	v40 =	vld [tilespmem:$0x1FE30]  }
0x264: {  	v2 =	vmul.f32 v2, v26;
	v32 =	vadd.f32 v44, v27;
	v13 =	vmul.f32 v13, v26;
	v26 =	vld [tilespmem:$0x1FE90]  }
0x265: {  	v44 =	vmul.f32 v60, v8;
	v60 =	vmul.f32 v62, v43;
	[tilespmem:s29+$0x20] =	vst v3;
	v3 =	vld [tilespmem:$0x3570]  }
0x266: {  	v4 =	vadd.f32 v32, v4;
	v32 =	vld [tilespmem:$0x1FE10];
	v59 =	vmul.f32 v61, v15  }
0x267: {  	v7 =	vmul.f32 v36, v60;
	v36 =	vld [tilespmem:$0x1FE20]  }
0x268: {  	[tilespmem:s29+$0x90] =	vst v4;
	v28 =	vmul.f32 v9, v59;
	v9 =	vld [tilespmem:$0x32F0]  }
0x269: {  	v27 =	vadd.f32 v44, v29;
	v29 =	vmul.f32 v45, v21;
	v37 =	vld [tilespmem:$0x32E0]  }
0x26a: {  	v44 =	vld [tilespmem:$0x33E0]  }
0x26b: {  	v45 =	vadd.f32 v29, v49;
	v49 =	vld [tilespmem:$0x3460]  }
0x26c: {  	v43 =	vadd.f32 v53, v7;
	v53 =	vld [tilespmem:$0x3360]  }
0x26d: {  	v59 =	vld [tilespmem:$0x34E0]  }
0x26e: {  	v60 =	vld [tilespmem:$0x3560];
	v4 =	vadd.f32 v27, v28  }
0x26f: {  	v17 =	vsub.f32 v63, v24;
	v24 =	vld [tilespmem:$0x1FE50];
	v14 =	vsub.f32 v32, v36  }
0x270: {  	v27 =	vld [tilespmem:$0x1FE60];
	v4 =	vadd.f32 v43, v4  }
0x271: {  	v17 =	vmul.f32 v40, v17;
	v14 =	vmul.f32 v51, v14;
	v51 =	vsub.f32 v25, v16;
	v25 =	vld [tilespmem:$0x34F0]  }
0x272: {  	v63 =	vmul.f32 v44, v57;
	v44 =	vld [tilespmem:$0x33F0];
	[tilespmem:s29+$0x110] =	vst v4  }
0x273: {  	v11 =	vmul.f32 v11, v17;
	v28 =	vld [tilespmem:$0x33E0]  }
0x274: {  	v20 =	vsub.f32 v26, v47;
	v29 =	vld [tilespmem:$0x3460]  }
0x275: {  	v6 =	vsub.f32 v24, v23;
	v7 =	vadd.f32 v45, v11;
	v11 =	vmul.f32 v52, v14;
	v36 =	vld [tilespmem:$0x32E0]  }
0x276: {  	v18 =	vsub.f32 v27, v22;
	v4 =	vadd.f32 v63, v37;
	v37 =	vld [tilespmem:$0x1FE70]  }
0x277: {  	v12 =	vmul.f32 v49, v57;
	v6 =	vmul.f32 v56, v6;
	v11 =	vadd.f32 v58, v11;
	v58 =	vld [tilespmem:$0x3470]  }
0x278: {  	v20 =	vmul.f32 v30, v20;
	v40 =	vld [tilespmem:$0x3360];
	v32 =	vmul.f32 v55, v18  }
0x279: {  	v49 =	vsub.f32 v34, v46;
	v12 =	vadd.f32 v12, v53;
	v63 =	vld [tilespmem:$0x3370];
	v4 =	vmul.f32 v4, v6  }
0x27a: {  	v43 =	vld [tilespmem:$0x34E0];
	v15 =	vmul.f32 v44, v33;
	v5 =	vmul.f32 v59, v32  }
0x27b: {  	v53 =	vld [tilespmem:$0x3560];
	v19 =	vmul.f32 v61, v49;
	v4 =	vadd.f32 v12, v4;
	v45 =	vmul.f32 v28, v8  }
0x27c: {  	v27 =	vld [tilespmem:$0x1FEA0];
	v9 =	vadd.f32 v15, v9;
	v5 =	vadd.f32 v60, v5;
	v33 =	vmul.f32 v58, v33  }
0x27d: {  	v59 =	vmul.f32 v62, v51;
	v52 =	vmul.f32 v29, v8;
	v60 =	vld [tilespmem:$0x1FE80];
	v17 =	vadd.f32 v45, v36  }
0x27e: {  	v49 =	vld [tilespmem:$0x1FEC0];
	v9 =	vmul.f32 v9, v20;
	v4 =	vadd.f32 v5, v4;
	v5 =	vadd.f32 v33, v63  }
0x27f: {  	v28 =	vld [tilespmem:$0x3570];
	v6 =	vmul.f32 v43, v59  }
0x280: {  	v12 =	vadd.f32 v52, v40;
	v17 =	vmul.f32 v17, v19;
	[tilespmem:s29+$0xA0] =	vst v4;
	v43 =	vadd.f32 v5, v9;
	v9 =	vld [tilespmem:$0x1FEB0]  }
0x281: {  	v6 =	vadd.f32 v53, v6;
	v29 =	vld [tilespmem:$0x32F0]  }
0x282: {  	v24 =	vsub.f32 v60, v38;
	v12 =	vadd.f32 v12, v17;
	v34 =	vld [tilespmem:$0x33F0]  }
0x283: {  	v1 =	vadd.f32 v2, v1;
	v36 =	vld [tilespmem:$0x3370]  }
0x284: {  	v2 =	vsub.f32 v37, v39;
	v39 =	vld [tilespmem:$0x34F0];
	v32 =	vmul.f32 v42, v24;
	v6 =	vadd.f32 v6, v12  }
0x285: {  	v21 =	vsub.f32 v27, v48;
	v51 =	vld [tilespmem:$0x3570]  }
0x286: {  	v2 =	vmul.f32 v50, v2;
	v37 =	vmul.f32 v10, v32;
	v10 =	vld [tilespmem:$0x3470];
	[tilespmem:s29+$0x120] =	vst v6  }
0x287: {  	v0 =	vadd.f32 v13, v0;
	v13 =	vsub.f32 v49, v22;
	v21 =	vmul.f32 v31, v21;
	v42 =	vld [tilespmem:$0x33F0]  }
0x288: {  	v16 =	vsub.f32 v35, v16;
	v7 =	vadd.f32 v11, v7;
	v1 =	vmul.f32 v1, v2;
	v44 =	vld [tilespmem:$0x3470]  }
0x289: {  	v52 =	vsub.f32 v41, v46;
	v13 =	vmul.f32 v55, v13;
	v38 =	vmul.f32 v25, v21;
	v11 =	vld [tilespmem:$0x32F0]  }
0x28a: {  	v53 =	vmul.f32 v62, v16;
	v0 =	vadd.f32 v0, v1;
	v9 =	vsub.f32 v9, v23;
	v48 =	vld [tilespmem:$0x3370]  }
0x28b: {  	v4 =	vadd.f32 v28, v38;
	v47 =	vmul.f32 v34, v57;
	v50 =	vld [tilespmem:$0x34F0];
	v6 =	vmul.f32 v39, v13  }
0x28c: {  	v40 =	vadd.f32 v3, v37;
	v9 =	vmul.f32 v56, v9;
	v2 =	vmul.f32 v42, v8  }
0x28d: {  	v3 =	vadd.f32 v47, v29;
	v10 =	vmul.f32 v10, v57;
	v5 =	vmul.f32 v44, v8;
	v8 =	vld [tilespmem:$0x3570]  }
0x28e: {  	v45 =	vadd.f32 v4, v43;
	v2 =	vadd.f32 v2, v11;
	v11 =	vmul.f32 v61, v52  }
0x28f: {  	v6 =	vadd.f32 v51, v6;
	v3 =	vmul.f32 v3, v9;
	v10 =	vadd.f32 v10, v36  }
0x290: {  	v60 =	vmul.f32 v50, v53;
	v4 =	vadd.f32 v5, v48;
	v2 =	vmul.f32 v2, v11  }
0x291: {  	p0 =	slt.u32 s1, $0x14;
	v0 =	vadd.f32 v40, v0;
	v3 =	vadd.f32 v10, v3  }
.Ltmp0:
0x292: {  	[tilespmem:s29+$0xFFFFFF30] =	vst v7;
	v61 =	vadd.f32 v8, v60;
	v2 =	vadd.f32 v4, v2;
	(pc) =	sbr.rel @p0 .LBB2_2-.Ltmp0, $4  }
0x293: {  	[tilespmem:s29+$0x30] =	vst v45;
	v62 =	vadd.f32 v6, v3  }
0x294: {  	v56 =	vld [tilespmem:$0x1FFF0];
	[tilespmem:s29+$0xFFFFFFB0] =	vst v0;
	v63 =	vadd.f32 v61, v2  }
0x295: {  	s28 =	sadd.s32 $0x14, s28;
	s0 =	smov.u32 s1;
	s31 =	sadd.s32 $0x280, s31;
	v10 =	vld [tilespmem:$0x1FFD0];
	[tilespmem:s29+$0xB0] =	vst v62  }
0x296: {  	s3 =	sadd.s32 $0x280, s3;
	s30 =	sadd.s32 $0x280, s30;
	v11 =	vld [tilespmem:$0x1FFE0];
	[tilespmem:s29+$0x130] =	vst v63;
	s29 =	sadd.s32 $0x280, s29  }
0x297: {  	s26 =	sadd.s32 $0x1, s26  }
0x298: {  	p0 =	sne.s32 s26, s9  }
.Ltmp1:
0x299: {  	_ = 	snop;
	(pc) =	sbr.rel @p0 .LBB2_1-.Ltmp1, $4  }
0x29a: {  	[hbm4b:s4+s12] =	stream.indirect.scatter [tilespmem:s24], [sflag:$0x4], $0x80, s17, s12, $0xb8;
	[tilespmem:$0x4700] =	vst v63  }
0x29b: {  	_ =	swait.ge [sflag:s25], $0xC80  }
0x29c: {  	[sflag:s25] =	ssyncset.done $0x0  }
0x29d: {  	[sflag:s25] =	ssyncadd.s32 $0xFFFFF380  }
0x29e: {  	_ =	sfence.sel $0x180000  }
0x29f: {  	[bflag:$0x0] =	sbarrier.arrive $0xFFFF  }
0x2a0: {  	_ =	strace $0x90000047  }
0x2a1: {  	s0 =	stileid.u32;
	[bflag:$0x2] =	sbarrier.arrive $0xFFFF  }
0x2a2: {  	p0 =	sne.s32 s0, $0x0;
	s0 =	rddreg [dreg:$0x4]  }
0x2a3: {  	s0 =	sadd.s32 @!p0 $0x100000, s0  }
0x2a4: {  	[sflag:s0] =	ssyncadd.tile.s32 @!p0 $0x1;
	_ =	shalt  }
.Lfunc_end2:
_tile_overlayer_lowered:
.L_overlay_start_2:
0x2a5: {  	(tag) =	ssettag $0x2  }
0x2a6: {  	s0 =	rddreg [dreg:$0x0];
	s2 =	stileid.u32  }
0x2a7: {  	s1 =	rddreg [dreg:$0x1];
	p0 =	sne.s32 s2, $0x0  }
0x2a8: {  	s3 =	rddreg [dreg:$0x2];
	[bflag:$0x3] =	sbarrier.arrive $0xFFFF;
	s2 =	simm.s32 @!p0 $0x1C05  }
0x2a9: {  	[timem:s3], [sflag:s2] =	dma.local @!p0 [hbm:s0], s1  }
0x2aa: {  	s0 =	simm.s32 @!p0 $0x5  }
0x2ab: {  	_ =	swait.ge @!p0 [sflag:s0], s1  }
0x2ac: {  	s1 =	ssub.s32 @!p0 $0x0, s1;
	[sflag:s0] =	ssyncset.done @!p0 $0x0  }
0x2ad: {  	[sflag:s0] =	ssyncadd.s32 @!p0 s1  }
0x2ae: {  	[bflag:$0x3] =	sbarrier.arrive $0xFFFF  }
0x2af: {  	_ =	shalt  }

</sc_bundles>
